<compile_context>
chip_gen: v7x
topology: tpu7x:2x2x1
jax: 0.10.2.dev20260603
libtpu: 0.0.44.dev20260713+nightly
codegen_flags: <defaults>
</compile_context>

<pallas_src>
import functools

import jax
import jax.numpy as jnp
from jax import lax
from jax.experimental import pallas as pl
from jax.experimental.pallas import tpu as pltpu
from jax.experimental.pallas import tpu_sc as plsc

N = 10000
E = 320000
D = 128
DH = 64
G = 64
NCLS = 10

NC = 2
NS = 16
CHUNK = 128
CT = 160
HF = CT // 2
EP = NS * CT * CHUNK
R = 10112
R2 = R // 2
TS = R // NS
BLK = 2528
BLK2 = BLK // 2
NBLK = R // BLK
NBUF = 4

_MESH = plsc.VectorSubcoreMesh(core_axis_name="c", subcore_axis_name="s")
_SC_PARAMS = pltpu.CompilerParams(use_tc_tiling_on_sc=False,
                                  needs_layout_passes=False)



def _deg_body(eiI, zr, ones_hbm, d_out, idx_sd, ones_v, ext, out1d, acc):
    c = lax.axis_index("c")
    t = lax.axis_index("s")
    pltpu.sync_copy(zr, acc.at[pl.ds(t * TS, TS)])
    pltpu.sync_copy(eiI.at[t, pl.ds(c * HF, HF)], idx_sd)
    pltpu.sync_copy(ones_hbm, ones_v)
    plsc.subcore_barrier()

    def body(j, carry):
        pltpu.sync_copy(ones_v, acc.at[idx_sd.at[j, 1]], add=True)
        return carry

    lax.fori_loop(0, HF, body, 0)
    plsc.subcore_barrier()

    pltpu.sync_copy(acc.at[pl.ds(t * TS, TS)], ext)
    lane = lax.iota(jnp.int32, 16)
    zero16 = jnp.zeros((16,), jnp.int32)

    def extract(i, carry):
        vals = plsc.load_gather(ext, [lane + i * 16, zero16])
        out1d[pl.ds(i * 16, 16)] = vals
        return carry

    lax.fori_loop(0, TS // 16, extract, 0)
    pltpu.sync_copy(out1d, d_out.at[c, t])


_deg_call = functools.partial(
    pl.kernel,
    mesh=_MESH,
    out_type=jax.ShapeDtypeStruct((NC, NS, TS), jnp.float32),
    compiler_params=_SC_PARAMS,
    scratch_types=[
        pltpu.VMEM((HF, 2, CHUNK), jnp.int32),
        pltpu.VMEM((CHUNK, 16), jnp.float32),
        pltpu.VMEM((TS, 16), jnp.float32),
        pltpu.VMEM((TS,), jnp.float32),
        pltpu.VMEM_SHARED((R, 16), jnp.float32),
    ],
)(_deg_body)


def _edge_body(hd, eiI, zr, s_out, idx_sd, rows, acc, *gsem):
    c = lax.axis_index("c")
    t = lax.axis_index("s")
    pltpu.sync_copy(zr, acc.at[pl.ds(t * TS, TS)])
    pltpu.sync_copy(eiI.at[t], idx_sd)

    plsc.subcore_barrier()
    table = hd.at[c]
    for j in range(NBUF):
        pltpu.async_copy(table.at[idx_sd.at[j, 0]], rows.at[j], gsem[j])

    def outer(i, carry):
        j0 = i * NBUF
        for b in range(NBUF):
            j = j0 + b
            pltpu.make_async_copy(table.at[idx_sd.at[j, 0]], rows.at[b],
                                  gsem[b]).wait()
            pltpu.sync_copy(rows.at[b], acc.at[idx_sd.at[j, 1]], add=True)

            @pl.when(j + NBUF < CT)
            def _():
                pltpu.async_copy(table.at[idx_sd.at[j + NBUF, 0]], rows.at[b],
                                 gsem[b])

        return carry

    lax.fori_loop(0, CT // NBUF, outer, 0)
    plsc.subcore_barrier()
    pltpu.sync_copy(acc.at[pl.ds(t * TS, TS)], s_out.at[c, pl.ds(t * TS, TS)])


_edge_call = functools.partial(
    pl.kernel,
    mesh=_MESH,
    out_type=jax.ShapeDtypeStruct((NC, R, DH), jnp.float32),
    compiler_params=_SC_PARAMS,
    scratch_types=[
        pltpu.VMEM((CT, 2, CHUNK), jnp.int32),
        pltpu.VMEM((NBUF, CHUNK, DH), jnp.float32),
        pltpu.VMEM_SHARED((R, DH), jnp.float32),
    ] + [pltpu.SemaphoreType.DMA] * NBUF,
)(_edge_body)



def _pack2(hd):
    h3 = jnp.reshape(hd, (BLK2, 2, D))
    p0 = jnp.concatenate([h3[:, 0, :DH], h3[:, 1, :DH]], axis=1)
    p1 = jnp.concatenate([h3[:, 0, DH:], h3[:, 1, DH:]], axis=1)
    return p0, p1


def _unpack2(p0, p1):
    u = jnp.concatenate([p0[:, :DH], p1[:, :DH]], axis=1)[:, None, :]
    v = jnp.concatenate([p0[:, DH:], p1[:, DH:]], axis=1)[:, None, :]
    return jnp.reshape(jnp.concatenate([u, v], axis=1), (BLK, D))


def _head_body(x_ref, w_ref, dinv_ref, o_ref):
    h = jnp.dot(x_ref[...], w_ref[...], preferred_element_type=jnp.float32)
    hd = h * dinv_ref[...]
    p0, p1 = _pack2(hd)
    o_ref[0] = p0
    o_ref[1] = p1


def _head(xp, W1, dinv):
    return pl.pallas_call(
        _head_body,
        grid=(NBLK,),
        in_specs=[
            pl.BlockSpec((BLK, D), lambda i: (i, 0)),
            pl.BlockSpec((D, D), lambda i: (0, 0)),
            pl.BlockSpec((BLK, 1), lambda i: (i, 0)),
        ],
        out_specs=pl.BlockSpec((NC, BLK2, D), lambda i: (0, i, 0)),
        out_shape=jax.ShapeDtypeStruct((NC, R2, D), jnp.float32),
    )(xp, W1, dinv)


def _mid_body(s_ref, hd_ref, dinv_ref, b_ref, w_ref, o_ref):
    t = _unpack2(s_ref[0] + hd_ref[0], s_ref[1] + hd_ref[1])
    a = jnp.maximum(t * dinv_ref[...] + b_ref[...], 0.0)
    hd2 = jnp.dot(a, w_ref[...],
                  preferred_element_type=jnp.float32) * dinv_ref[...]
    p0, p1 = _pack2(hd2)
    o_ref[0] = p0
    o_ref[1] = p1


def _mid(s, hd, dinv, b, W2):
    return pl.pallas_call(
        _mid_body,
        grid=(NBLK,),
        in_specs=[
            pl.BlockSpec((NC, BLK2, D), lambda i: (0, i, 0)),
            pl.BlockSpec((NC, BLK2, D), lambda i: (0, i, 0)),
            pl.BlockSpec((BLK, 1), lambda i: (i, 0)),
            pl.BlockSpec((1, D), lambda i: (0, 0)),
            pl.BlockSpec((D, D), lambda i: (0, 0)),
        ],
        out_specs=pl.BlockSpec((NC, BLK2, D), lambda i: (0, i, 0)),
        out_shape=jax.ShapeDtypeStruct((NC, R2, D), jnp.float32),
    )(s, hd, dinv, b, W2)


def _tail_body(s_ref, hd_ref, dinv_ref, b_ref, batch_ref, wl_ref, bl_ref,
               o_ref, sums, cnts):
    i = pl.program_id(0)

    @pl.when(i == 0)
    def _():
        sums[...] = jnp.zeros_like(sums)
        cnts[...] = jnp.zeros_like(cnts)

    t = _unpack2(s_ref[0] + hd_ref[0], s_ref[1] + hd_ref[1])
    h2 = jnp.maximum(t * dinv_ref[...] + b_ref[...], 0.0)
    onehot = (batch_ref[...] ==
              lax.broadcasted_iota(jnp.int32, (BLK, G), 1)).astype(jnp.float32)
    sums[...] += lax.dot_general(onehot, h2, (((0,), (0,)), ((), ())),
                                 preferred_element_type=jnp.float32)
    cnts[...] += lax.dot_general(onehot, jnp.ones((BLK, D), jnp.float32),
                                 (((0,), (0,)), ((), ())),
                                 preferred_element_type=jnp.float32)

    @pl.when(i == NBLK - 1)
    def _():
        pooled = sums[...] / jnp.maximum(cnts[...], 1.0)
        o_ref[...] = jnp.dot(pooled, wl_ref[...],
                             preferred_element_type=jnp.float32) + bl_ref[...]


def _tail(s, hd, dinv, b, batchp, Wlp, blp):
    return pl.pallas_call(
        _tail_body,
        grid=(NBLK,),
        in_specs=[
            pl.BlockSpec((NC, BLK2, D), lambda i: (0, i, 0)),
            pl.BlockSpec((NC, BLK2, D), lambda i: (0, i, 0)),
            pl.BlockSpec((BLK, 1), lambda i: (i, 0)),
            pl.BlockSpec((1, D), lambda i: (0, 0)),
            pl.BlockSpec((BLK, 1), lambda i: (i, 0)),
            pl.BlockSpec((D, 16), lambda i: (0, 0)),
            pl.BlockSpec((1, 16), lambda i: (0, 0)),
        ],
        out_specs=pl.BlockSpec((G, 16), lambda i: (0, 0)),
        out_shape=jax.ShapeDtypeStruct((G, 16), jnp.float32),
        scratch_shapes=[
            pltpu.VMEM((G, D), jnp.float32),
            pltpu.VMEM((G, D), jnp.float32),
        ],
    )(s, hd, dinv, b, batchp, Wlp, blp)



def kernel(x, edge_index, batch, W1, b1, W2, b2, Wl, bl):
    nchunk = E // CHUNK
    padc = NS * CT - nchunk
    ei = edge_index.astype(jnp.int32).reshape(2, nchunk, CHUNK)
    ei = jnp.transpose(ei, (1, 0, 2))
    pad_s = ((jnp.arange(padc * CHUNK, dtype=jnp.int32) * 997) % N).reshape(
        padc, 1, CHUNK)
    pad_d = (N + (jnp.arange(padc * CHUNK, dtype=jnp.int32) % (R - N))
             ).reshape(padc, 1, CHUNK)
    ei4 = jnp.concatenate([ei, jnp.concatenate([pad_s, pad_d], axis=1)],
                          axis=0).reshape(NS, CT, 2, CHUNK)

    xp = jnp.pad(x, ((0, R - N), (0, 0)))
    batchp = jnp.pad(batch.astype(jnp.int32), (0, R - N),
                     constant_values=G).reshape(R, 1)
    z16 = jnp.zeros((TS, 16), jnp.float32)
    zDH = jnp.zeros((TS, DH), jnp.float32)
    ones_rows = jnp.concatenate(
        [jnp.ones((CHUNK, 1), jnp.float32),
         jnp.zeros((CHUNK, 15), jnp.float32)], axis=1)
    Wlp = jnp.pad(Wl, ((0, 0), (0, 16 - NCLS)))
    blp = jnp.pad(bl, (0, 16 - NCLS)).reshape(1, 16)
    b1r = b1.reshape(1, D)
    b2r = b2.reshape(1, D)

    deg = _deg_call(ei4, z16, ones_rows)
    cnt = deg.reshape(NC, R)
    dinv = lax.rsqrt(cnt[0] + cnt[1] + 1.0).reshape(R, 1)

    hd1 = _head(xp, W1, dinv)
    s1 = _edge_call(hd1.reshape(NC, R, DH), ei4, zDH)
    hd2 = _mid(s1.reshape(NC, R2, D), hd1, dinv, b1r, W2)
    s2 = _edge_call(hd2.reshape(NC, R, DH), ei4, zDH)
    out16 = _tail(s2.reshape(NC, R2, D), hd2, dinv, b2r, batchp, Wlp, blp)
    return out16[:, :NCLS]

# --- scband reference (transcript-rebuilt; emitter-appended) ---
"""Pipeline reference for scband-gcnclassifier-47502338294232 (READ-ONLY COPY).

The authoritative reference and input builder live on the scoring server;
editing this copy changes nothing except your own understanding.
"""

import jax, jax.numpy as jnp
import numpy as np

N = 10000
E = 320000
D_IN = 128
D_H = 128
N_CLS = 10
N_GRAPHS = 64


def setup_inputs(seed: int = 0) -> dict:
    key = jax.random.key(seed)
    ks = jax.random.split(key, 10)
    x = jax.random.normal(ks[0], (N, D_IN), dtype=jnp.float32)
    edge_index = jax.random.randint(ks[1], (2, E), 0, N, dtype=jnp.int64)
    batch = jnp.sort(jax.random.randint(ks[2], (N,), 0, N_GRAPHS, dtype=jnp.int64))
    s1 = 1.0 / np.sqrt(D_IN)
    s2 = 1.0 / np.sqrt(D_H)
    W1 = jax.random.uniform(ks[3], (D_IN, D_H), dtype=jnp.float32, minval=-s1, maxval=s1)
    b1 = jnp.zeros((D_H,), dtype=jnp.float32)
    W2 = jax.random.uniform(ks[4], (D_H, D_H), dtype=jnp.float32, minval=-s2, maxval=s2)
    b2 = jnp.zeros((D_H,), dtype=jnp.float32)
    Wl = jax.random.uniform(ks[5], (D_H, N_CLS), dtype=jnp.float32, minval=-s2, maxval=s2)
    bl = jax.random.uniform(ks[6], (N_CLS,), dtype=jnp.float32, minval=-s2, maxval=s2)
    return {"x": x, "edge_index": edge_index, "batch": batch,
            "W1": W1, "b1": b1, "W2": W2, "b2": b2, "Wl": Wl, "bl": bl}


def _gcn_conv(x, src, dst, W, b):
    n = x.shape[0]
    loop = jnp.arange(n, dtype=src.dtype)
    src_sl = jnp.concatenate([src, loop])
    dst_sl = jnp.concatenate([dst, loop])
    deg = jnp.zeros((n,), dtype=x.dtype).at[dst_sl].add(1.0)
    dinv = jnp.where(deg > 0, deg ** -0.5, 0.0)
    norm = dinv[src_sl] * dinv[dst_sl]
    h = x @ W
    msg = jnp.take(h, src_sl, axis=0) * norm[:, None]
    out = jax.ops.segment_sum(msg, dst_sl, num_segments=n)
    return out + b


def reference(x, edge_index, batch, W1, b1, W2, b2, Wl, bl):
    src = edge_index[0]
    dst = edge_index[1]
    h = _gcn_conv(x, src, dst, W1, b1)
    h = jax.nn.relu(h)
    # dropout is identity in eval mode
    h = _gcn_conv(h, src, dst, W2, b2)
    h = jax.nn.relu(h)
    sums = jax.ops.segment_sum(h, batch, num_segments=N_GRAPHS)
    cnt = jax.ops.segment_sum(jnp.ones((h.shape[0],), dtype=h.dtype), batch, num_segments=N_GRAPHS)
    cnt = jnp.maximum(cnt, 1.0)
    pooled = sums / cnt[:, None]
    return pooled @ Wl + bl

if __name__ == "__main__":
    import jax
    _d = setup_inputs()
    print(jax.jit(kernel)(*tuple(_d.values())))

</pallas_src>

<mosaic_0001>
#map = affine_map<(d0, d1) -> (0, 0, 0)>
#map1 = affine_map<(d0, d1) -> (0, 0, 0, 0)>
#map2 = affine_map<(d0, d1) -> (0, 0)>
module attributes {stable_mosaic.version = 14 : i64} {
  func.func @_edge_body(%arg0: i32, %arg1: i32, %arg2: memref<2x10112x64xf32, #tpu.memory_space<hbm>>, %arg3: memref<16x160x2x128xi32, #tpu.memory_space<hbm>>, %arg4: memref<632x64xf32, #tpu.memory_space<hbm>>, %arg5: memref<2x10112x64xf32, #tpu.memory_space<hbm>>, %arg6: memref<160x2x128xi32, #tpu.memory_space<vmem>>, %arg7: memref<4x128x64xf32, #tpu.memory_space<vmem>>, %arg8: memref<10112x64xf32, #tpu.memory_space<vmem_shared>>, %arg9: memref<!tpu.dma_semaphore, #tpu.memory_space<semaphore_mem>>, %arg10: memref<!tpu.dma_semaphore, #tpu.memory_space<semaphore_mem>>, %arg11: memref<!tpu.dma_semaphore, #tpu.memory_space<semaphore_mem>>, %arg12: memref<!tpu.dma_semaphore, #tpu.memory_space<semaphore_mem>>) attributes {dimension_semantics = [#tpu.dimension_semantics<core_parallel>, #tpu.dimension_semantics<subcore_parallel>], iteration_bounds = array<i64: 2, 16>, scalar_prefetch = 0 : i64, scratch_operands = 7 : i64, tpu.core_type = #tpu.core_type<sc_vector_subcore>, window_params = [{transform_indices = #map}, {transform_indices = #map1}, {transform_indices = #map2}, {transform_indices = #map}]} {
    %mul3A = arith.constant 632 : i32
    %mul3A_0 = arith.muli %arg1, %mul3A : i32
    "tpu.region"() ({
      %run_scoped3A = tpu.sem_alloc : memref<!tpu.dma_semaphore, #tpu.memory_space<semaphore_mem>>
      %dma_start3A_78 = arith.constant 0 : i32
      %dma_start3A_79 = tpu.memref_slice %arg8[%mul3A_0, %dma_start3A_78] : memref<10112x64xf32, #tpu.memory_space<vmem_shared>> -> memref<632x64xf32, #tpu.memory_space<vmem_shared>>
      tpu.enqueue_dma source(%arg4 : memref<632x64xf32, #tpu.memory_space<hbm>>) target(%dma_start3A_79 : memref<632x64xf32, #tpu.memory_space<vmem_shared>>) target_semaphore(%run_scoped3A : memref<!tpu.dma_semaphore, #tpu.memory_space<semaphore_mem>>)
      %dma_wait3A = arith.constant 0 : i32
      %dma_wait3A_80 = tpu.memref_slice %arg8[%mul3A_0, %dma_wait3A] : memref<10112x64xf32, #tpu.memory_space<vmem_shared>> -> memref<632x64xf32, #tpu.memory_space<vmem_shared>>
      tpu.wait_dma2 semaphore(%run_scoped3A : memref<!tpu.dma_semaphore, #tpu.memory_space<semaphore_mem>>) src(%arg4 : memref<632x64xf32, #tpu.memory_space<hbm>>) dst(%dma_wait3A_80 : memref<632x64xf32, #tpu.memory_space<vmem_shared>>)
      tpu.yield
    }) : () -> ()
    "tpu.region"() ({
      %run_scoped3A = tpu.sem_alloc : memref<!tpu.dma_semaphore, #tpu.memory_space<semaphore_mem>>
      %dma_start3A_78 = arith.constant 0 : i32
      %dma_start3A_79 = arith.constant 0 : i32
      %dma_start3A_80 = arith.constant 0 : i32
      %dma_start3A_81 = tpu.memref_slice %arg3[%arg1, %dma_start3A_78, %dma_start3A_79, %dma_start3A_80] : memref<16x160x2x128xi32, #tpu.memory_space<hbm>> -> memref<1x160x2x128xi32, #tpu.memory_space<hbm>>
      %dma_start3A_82 = tpu.memref_squeeze %dma_start3A_81 : memref<1x160x2x128xi32, #tpu.memory_space<hbm>> -> memref<160x2x128xi32, #tpu.memory_space<hbm>>
      %dma_start3A_83 = arith.constant 0 : i32
      %dma_start3A_84 = arith.constant 0 : i32
      %dma_start3A_85 = arith.constant 0 : i32
      %dma_start3A_86 = tpu.memref_slice %arg3[%arg1, %dma_start3A_83, %dma_start3A_84, %dma_start3A_85] : memref<16x160x2x128xi32, #tpu.memory_space<hbm>> -> memref<1x160x2x128xi32, #tpu.memory_space<hbm>>
      %dma_start3A_87 = tpu.memref_squeeze %dma_start3A_86 : memref<1x160x2x128xi32, #tpu.memory_space<hbm>> -> memref<160x2x128xi32, #tpu.memory_space<hbm>>
      tpu.enqueue_dma source(%dma_start3A_87 : memref<160x2x128xi32, #tpu.memory_space<hbm>>) target(%arg6 : memref<160x2x128xi32, #tpu.memory_space<vmem>>) target_semaphore(%run_scoped3A : memref<!tpu.dma_semaphore, #tpu.memory_space<semaphore_mem>>)
      %dma_wait3A = arith.constant 0 : i32
      %dma_wait3A_88 = arith.constant 0 : i32
      %dma_wait3A_89 = arith.constant 0 : i32
      %dma_wait3A_90 = tpu.memref_slice %arg3[%arg1, %dma_wait3A, %dma_wait3A_88, %dma_wait3A_89] : memref<16x160x2x128xi32, #tpu.memory_space<hbm>> -> memref<1x160x2x128xi32, #tpu.memory_space<hbm>>
      %dma_wait3A_91 = tpu.memref_squeeze %dma_wait3A_90 : memref<1x160x2x128xi32, #tpu.memory_space<hbm>> -> memref<160x2x128xi32, #tpu.memory_space<hbm>>
      %dma_wait3A_92 = arith.constant 0 : i32
      %dma_wait3A_93 = arith.constant 0 : i32
      %dma_wait3A_94 = arith.constant 0 : i32
      %dma_wait3A_95 = tpu.memref_slice %arg3[%arg1, %dma_wait3A_92, %dma_wait3A_93, %dma_wait3A_94] : memref<16x160x2x128xi32, #tpu.memory_space<hbm>> -> memref<1x160x2x128xi32, #tpu.memory_space<hbm>>
      %dma_wait3A_96 = tpu.memref_squeeze %dma_wait3A_95 : memref<1x160x2x128xi32, #tpu.memory_space<hbm>> -> memref<160x2x128xi32, #tpu.memory_space<hbm>>
      tpu.wait_dma2 semaphore(%run_scoped3A : memref<!tpu.dma_semaphore, #tpu.memory_space<semaphore_mem>>) src(%dma_wait3A_96 : memref<160x2x128xi32, #tpu.memory_space<hbm>>) dst(%arg6 : memref<160x2x128xi32, #tpu.memory_space<vmem>>)
      tpu.yield
    }) : () -> ()
    %barrier3A = arith.constant 0 : index
    tpu.barrier barrier_id(%barrier3A)
    %dma_start3A = arith.constant 0 : i32
    %dma_start3A_1 = arith.constant 0 : i32
    %dma_start3A_2 = arith.constant 0 : i32
    %dma_start3A_3 = arith.constant 0 : i32
    %dma_start3A_4 = arith.constant 0 : i32
    %dma_start3A_5 = tpu.memref_slice %arg7[%dma_start3A_2, %dma_start3A_3, %dma_start3A_4] : memref<4x128x64xf32, #tpu.memory_space<vmem>> -> memref<1x128x64xf32, #tpu.memory_space<vmem>>
    %dma_start3A_6 = tpu.memref_squeeze %dma_start3A_5 : memref<1x128x64xf32, #tpu.memory_space<vmem>> -> memref<128x64xf32, #tpu.memory_space<vmem>>
    %dma_start3A_7 = arith.constant 0 : i32
    %dma_start3A_8 = tpu.memref_slice %arg6[%dma_start3A, %dma_start3A_1, %dma_start3A_7] : memref<160x2x128xi32, #tpu.memory_space<vmem>> -> memref<1x1x128xi32, #tpu.memory_space<vmem>>
    %dma_start3A_9 = tpu.memref_squeeze %dma_start3A_8 : memref<1x1x128xi32, #tpu.memory_space<vmem>> -> memref<128xi32, #tpu.memory_space<vmem>>
    %dma_start3A_10 = arith.constant 0 : i32
    %dma_start3A_11 = arith.constant 0 : i32
    %dma_start3A_12 = tpu.memref_slice %arg2[%arg0, %dma_start3A_10, %dma_start3A_11] : memref<2x10112x64xf32, #tpu.memory_space<hbm>> -> memref<1x10112x64xf32, #tpu.memory_space<hbm>>
    %dma_start3A_13 = tpu.memref_squeeze %dma_start3A_12 : memref<1x10112x64xf32, #tpu.memory_space<hbm>> -> memref<10112x64xf32, #tpu.memory_space<hbm>>
    %dma_start3A_14 = arith.constant 0 : i32
    %dma_start3A_15 = arith.constant 0 : i32
    %dma_start3A_16 = tpu.memref_slice %dma_start3A_13[%dma_start3A_14, %dma_start3A_15] : memref<10112x64xf32, #tpu.memory_space<hbm>> -> memref<10112x64xf32, #tpu.memory_space<hbm>>
    tpu.enqueue_indirect_dma source(%dma_start3A_16 : memref<10112x64xf32, #tpu.memory_space<hbm>>) target(%dma_start3A_6 : memref<128x64xf32, #tpu.memory_space<vmem>>) offsets(%dma_start3A_9 : memref<128xi32, #tpu.memory_space<vmem>>) semaphore(%arg9 : memref<!tpu.dma_semaphore, #tpu.memory_space<semaphore_mem>>)
    %dma_start3A_17 = arith.constant 1 : i32
    %dma_start3A_18 = arith.constant 0 : i32
    %dma_start3A_19 = arith.constant 1 : i32
    %dma_start3A_20 = arith.constant 0 : i32
    %dma_start3A_21 = arith.constant 0 : i32
    %dma_start3A_22 = tpu.memref_slice %arg7[%dma_start3A_19, %dma_start3A_20, %dma_start3A_21] : memref<4x128x64xf32, #tpu.memory_space<vmem>> -> memref<1x128x64xf32, #tpu.memory_space<vmem>>
    %dma_start3A_23 = tpu.memref_squeeze %dma_start3A_22 : memref<1x128x64xf32, #tpu.memory_space<vmem>> -> memref<128x64xf32, #tpu.memory_space<vmem>>
    %dma_start3A_24 = arith.constant 0 : i32
    %dma_start3A_25 = tpu.memref_slice %arg6[%dma_start3A_17, %dma_start3A_18, %dma_start3A_24] : memref<160x2x128xi32, #tpu.memory_space<vmem>> -> memref<1x1x128xi32, #tpu.memory_space<vmem>>
    %dma_start3A_26 = tpu.memref_squeeze %dma_start3A_25 : memref<1x1x128xi32, #tpu.memory_space<vmem>> -> memref<128xi32, #tpu.memory_space<vmem>>
    %dma_start3A_27 = arith.constant 0 : i32
    %dma_start3A_28 = arith.constant 0 : i32
    %dma_start3A_29 = tpu.memref_slice %arg2[%arg0, %dma_start3A_27, %dma_start3A_28] : memref<2x10112x64xf32, #tpu.memory_space<hbm>> -> memref<1x10112x64xf32, #tpu.memory_space<hbm>>
    %dma_start3A_30 = tpu.memref_squeeze %dma_start3A_29 : memref<1x10112x64xf32, #tpu.memory_space<hbm>> -> memref<10112x64xf32, #tpu.memory_space<hbm>>
    %dma_start3A_31 = arith.constant 0 : i32
    %dma_start3A_32 = arith.constant 0 : i32
    %dma_start3A_33 = tpu.memref_slice %dma_start3A_30[%dma_start3A_31, %dma_start3A_32] : memref<10112x64xf32, #tpu.memory_space<hbm>> -> memref<10112x64xf32, #tpu.memory_space<hbm>>
    tpu.enqueue_indirect_dma source(%dma_start3A_33 : memref<10112x64xf32, #tpu.memory_space<hbm>>) target(%dma_start3A_23 : memref<128x64xf32, #tpu.memory_space<vmem>>) offsets(%dma_start3A_26 : memref<128xi32, #tpu.memory_space<vmem>>) semaphore(%arg10 : memref<!tpu.dma_semaphore, #tpu.memory_space<semaphore_mem>>)
    %dma_start3A_34 = arith.constant 2 : i32
    %dma_start3A_35 = arith.constant 0 : i32
    %dma_start3A_36 = arith.constant 2 : i32
    %dma_start3A_37 = arith.constant 0 : i32
    %dma_start3A_38 = arith.constant 0 : i32
    %dma_start3A_39 = tpu.memref_slice %arg7[%dma_start3A_36, %dma_start3A_37, %dma_start3A_38] : memref<4x128x64xf32, #tpu.memory_space<vmem>> -> memref<1x128x64xf32, #tpu.memory_space<vmem>>
    %dma_start3A_40 = tpu.memref_squeeze %dma_start3A_39 : memref<1x128x64xf32, #tpu.memory_space<vmem>> -> memref<128x64xf32, #tpu.memory_space<vmem>>
    %dma_start3A_41 = arith.constant 0 : i32
    %dma_start3A_42 = tpu.memref_slice %arg6[%dma_start3A_34, %dma_start3A_35, %dma_start3A_41] : memref<160x2x128xi32, #tpu.memory_space<vmem>> -> memref<1x1x128xi32, #tpu.memory_space<vmem>>
    %dma_start3A_43 = tpu.memref_squeeze %dma_start3A_42 : memref<1x1x128xi32, #tpu.memory_space<vmem>> -> memref<128xi32, #tpu.memory_space<vmem>>
    %dma_start3A_44 = arith.constant 0 : i32
    %dma_start3A_45 = arith.constant 0 : i32
    %dma_start3A_46 = tpu.memref_slice %arg2[%arg0, %dma_start3A_44, %dma_start3A_45] : memref<2x10112x64xf32, #tpu.memory_space<hbm>> -> memref<1x10112x64xf32, #tpu.memory_space<hbm>>
    %dma_start3A_47 = tpu.memref_squeeze %dma_start3A_46 : memref<1x10112x64xf32, #tpu.memory_space<hbm>> -> memref<10112x64xf32, #tpu.memory_space<hbm>>
    %dma_start3A_48 = arith.constant 0 : i32
    %dma_start3A_49 = arith.constant 0 : i32
    %dma_start3A_50 = tpu.memref_slice %dma_start3A_47[%dma_start3A_48, %dma_start3A_49] : memref<10112x64xf32, #tpu.memory_space<hbm>> -> memref<10112x64xf32, #tpu.memory_space<hbm>>
    tpu.enqueue_indirect_dma source(%dma_start3A_50 : memref<10112x64xf32, #tpu.memory_space<hbm>>) target(%dma_start3A_40 : memref<128x64xf32, #tpu.memory_space<vmem>>) offsets(%dma_start3A_43 : memref<128xi32, #tpu.memory_space<vmem>>) semaphore(%arg11 : memref<!tpu.dma_semaphore, #tpu.memory_space<semaphore_mem>>)
    %dma_start3A_51 = arith.constant 3 : i32
    %dma_start3A_52 = arith.constant 0 : i32
    %dma_start3A_53 = arith.constant 3 : i32
    %dma_start3A_54 = arith.constant 0 : i32
    %dma_start3A_55 = arith.constant 0 : i32
    %dma_start3A_56 = tpu.memref_slice %arg7[%dma_start3A_53, %dma_start3A_54, %dma_start3A_55] : memref<4x128x64xf32, #tpu.memory_space<vmem>> -> memref<1x128x64xf32, #tpu.memory_space<vmem>>
    %dma_start3A_57 = tpu.memref_squeeze %dma_start3A_56 : memref<1x128x64xf32, #tpu.memory_space<vmem>> -> memref<128x64xf32, #tpu.memory_space<vmem>>
    %dma_start3A_58 = arith.constant 0 : i32
    %dma_start3A_59 = tpu.memref_slice %arg6[%dma_start3A_51, %dma_start3A_52, %dma_start3A_58] : memref<160x2x128xi32, #tpu.memory_space<vmem>> -> memref<1x1x128xi32, #tpu.memory_space<vmem>>
    %dma_start3A_60 = tpu.memref_squeeze %dma_start3A_59 : memref<1x1x128xi32, #tpu.memory_space<vmem>> -> memref<128xi32, #tpu.memory_space<vmem>>
    %dma_start3A_61 = arith.constant 0 : i32
    %dma_start3A_62 = arith.constant 0 : i32
    %dma_start3A_63 = tpu.memref_slice %arg2[%arg0, %dma_start3A_61, %dma_start3A_62] : memref<2x10112x64xf32, #tpu.memory_space<hbm>> -> memref<1x10112x64xf32, #tpu.memory_space<hbm>>
    %dma_start3A_64 = tpu.memref_squeeze %dma_start3A_63 : memref<1x10112x64xf32, #tpu.memory_space<hbm>> -> memref<10112x64xf32, #tpu.memory_space<hbm>>
    %dma_start3A_65 = arith.constant 0 : i32
    %dma_start3A_66 = arith.constant 0 : i32
    %dma_start3A_67 = tpu.memref_slice %dma_start3A_64[%dma_start3A_65, %dma_start3A_66] : memref<10112x64xf32, #tpu.memory_space<hbm>> -> memref<10112x64xf32, #tpu.memory_space<hbm>>
    tpu.enqueue_indirect_dma source(%dma_start3A_67 : memref<10112x64xf32, #tpu.memory_space<hbm>>) target(%dma_start3A_57 : memref<128x64xf32, #tpu.memory_space<vmem>>) offsets(%dma_start3A_60 : memref<128xi32, #tpu.memory_space<vmem>>) semaphore(%arg12 : memref<!tpu.dma_semaphore, #tpu.memory_space<semaphore_mem>>)
    %scan3A = arith.constant 0 : i32
    %scan3A_68 = arith.constant 0 : i32
    %scan3A_69 = arith.constant 40 : i32
    %scan3A_70 = arith.addi %scan3A_68, %scan3A_69 : i32
    %scan3A_71 = arith.constant 1 : i32
    scf.for %scan3A_78 = %scan3A_68 to %scan3A_70 step %scan3A_71  : i32 {
      %mul3A_79 = arith.constant 4 : i32
      %mul3A_80 = arith.muli %scan3A_78, %mul3A_79 : i32
      %add3A = arith.constant 0 : i32
      %add3A_81 = arith.addi %mul3A_80, %add3A : i32
      %dma_wait3A = arith.constant 0 : i32
      %dma_wait3A_82 = arith.constant 0 : i32
      %dma_wait3A_83 = arith.constant 0 : i32
      %dma_wait3A_84 = arith.constant 0 : i32
      %dma_wait3A_85 = tpu.memref_slice %arg7[%dma_wait3A_82, %dma_wait3A_83, %dma_wait3A_84] : memref<4x128x64xf32, #tpu.memory_space<vmem>> -> memref<1x128x64xf32, #tpu.memory_space<vmem>>
      %dma_wait3A_86 = tpu.memref_squeeze %dma_wait3A_85 : memref<1x128x64xf32, #tpu.memory_space<vmem>> -> memref<128x64xf32, #tpu.memory_space<vmem>>
      %dma_wait3A_87 = arith.constant 0 : i32
      %dma_wait3A_88 = tpu.memref_slice %arg6[%add3A_81, %dma_wait3A, %dma_wait3A_87] : memref<160x2x128xi32, #tpu.memory_space<vmem>> -> memref<1x1x128xi32, #tpu.memory_space<vmem>>
      %dma_wait3A_89 = tpu.memref_squeeze %dma_wait3A_88 : memref<1x1x128xi32, #tpu.memory_space<vmem>> -> memref<128xi32, #tpu.memory_space<vmem>>
      %dma_wait3A_90 = arith.constant 0 : i32
      %dma_wait3A_91 = arith.constant 0 : i32
      %dma_wait3A_92 = tpu.memref_slice %arg2[%arg0, %dma_wait3A_90, %dma_wait3A_91] : memref<2x10112x64xf32, #tpu.memory_space<hbm>> -> memref<1x10112x64xf32, #tpu.memory_space<hbm>>
      %dma_wait3A_93 = tpu.memref_squeeze %dma_wait3A_92 : memref<1x10112x64xf32, #tpu.memory_space<hbm>> -> memref<10112x64xf32, #tpu.memory_space<hbm>>
      %dma_wait3A_94 = arith.constant 0 : i32
      %dma_wait3A_95 = arith.constant 0 : i32
      %dma_wait3A_96 = tpu.memref_slice %dma_wait3A_93[%dma_wait3A_94, %dma_wait3A_95] : memref<10112x64xf32, #tpu.memory_space<hbm>> -> memref<10112x64xf32, #tpu.memory_space<hbm>>
      tpu.wait_indirect_dma semaphore(%arg9 : memref<!tpu.dma_semaphore, #tpu.memory_space<semaphore_mem>>) src(%dma_wait3A_96 : memref<10112x64xf32, #tpu.memory_space<hbm>>) dst(%dma_wait3A_86 : memref<128x64xf32, #tpu.memory_space<vmem>>)
      %run_scoped3A = arith.constant 0 : i32
      %run_scoped3A_97 = arith.constant 1 : i32
      "tpu.region"() ({
        %run_scoped3A_183 = tpu.sem_alloc : memref<!tpu.dma_semaphore, #tpu.memory_space<semaphore_mem>>
        %dma_start3A_184 = arith.constant 0 : i32
        %dma_start3A_185 = arith.constant 0 : i32
        %dma_start3A_186 = tpu.memref_slice %arg7[%run_scoped3A, %dma_start3A_184, %dma_start3A_185] : memref<4x128x64xf32, #tpu.memory_space<vmem>> -> memref<1x128x64xf32, #tpu.memory_space<vmem>>
        %dma_start3A_187 = tpu.memref_squeeze %dma_start3A_186 : memref<1x128x64xf32, #tpu.memory_space<vmem>> -> memref<128x64xf32, #tpu.memory_space<vmem>>
        %dma_start3A_188 = arith.constant 0 : i32
        %dma_start3A_189 = tpu.memref_slice %arg6[%add3A_81, %run_scoped3A_97, %dma_start3A_188] : memref<160x2x128xi32, #tpu.memory_space<vmem>> -> memref<1x1x128xi32, #tpu.memory_space<vmem>>
        %dma_start3A_190 = tpu.memref_squeeze %dma_start3A_189 : memref<1x1x128xi32, #tpu.memory_space<vmem>> -> memref<128xi32, #tpu.memory_space<vmem>>
        %dma_start3A_191 = arith.constant 0 : i32
        %dma_start3A_192 = arith.constant 0 : i32
        %dma_start3A_193 = tpu.memref_slice %arg8[%dma_start3A_191, %dma_start3A_192] : memref<10112x64xf32, #tpu.memory_space<vmem_shared>> -> memref<10112x64xf32, #tpu.memory_space<vmem_shared>>
        tpu.enqueue_indirect_dma source(%dma_start3A_187 : memref<128x64xf32, #tpu.memory_space<vmem>>) target(%dma_start3A_193 : memref<10112x64xf32, #tpu.memory_space<vmem_shared>>) offsets(%dma_start3A_190 : memref<128xi32, #tpu.memory_space<vmem>>) semaphore(%run_scoped3A_183 : memref<!tpu.dma_semaphore, #tpu.memory_space<semaphore_mem>>) {add = true}
        %dma_wait3A_194 = arith.constant 0 : i32
        %dma_wait3A_195 = arith.constant 0 : i32
        %dma_wait3A_196 = tpu.memref_slice %arg7[%run_scoped3A, %dma_wait3A_194, %dma_wait3A_195] : memref<4x128x64xf32, #tpu.memory_space<vmem>> -> memref<1x128x64xf32, #tpu.memory_space<vmem>>
        %dma_wait3A_197 = tpu.memref_squeeze %dma_wait3A_196 : memref<1x128x64xf32, #tpu.memory_space<vmem>> -> memref<128x64xf32, #tpu.memory_space<vmem>>
        %dma_wait3A_198 = arith.constant 0 : i32
        %dma_wait3A_199 = tpu.memref_slice %arg6[%add3A_81, %run_scoped3A_97, %dma_wait3A_198] : memref<160x2x128xi32, #tpu.memory_space<vmem>> -> memref<1x1x128xi32, #tpu.memory_space<vmem>>
        %dma_wait3A_200 = tpu.memref_squeeze %dma_wait3A_199 : memref<1x1x128xi32, #tpu.memory_space<vmem>> -> memref<128xi32, #tpu.memory_space<vmem>>
        %dma_wait3A_201 = arith.constant 0 : i32
        %dma_wait3A_202 = arith.constant 0 : i32
        %dma_wait3A_203 = tpu.memref_slice %arg8[%dma_wait3A_201, %dma_wait3A_202] : memref<10112x64xf32, #tpu.memory_space<vmem_shared>> -> memref<10112x64xf32, #tpu.memory_space<vmem_shared>>
        tpu.wait_indirect_dma semaphore(%run_scoped3A_183 : memref<!tpu.dma_semaphore, #tpu.memory_space<semaphore_mem>>) src(%dma_wait3A_197 : memref<128x64xf32, #tpu.memory_space<vmem>>) dst(%dma_wait3A_203 : memref<10112x64xf32, #tpu.memory_space<vmem_shared>>)
        tpu.yield
      }) : () -> ()
      %add3A_98 = arith.constant 4 : i32
      %add3A_99 = arith.addi %add3A_81, %add3A_98 : i32
      %lt3A = arith.constant 160 : i32
      %lt3A_100 = arith.cmpi slt, %add3A_99, %lt3A : i32
      %convert_element_type3A = arith.extui %lt3A_100 : i1 to i32
      %cond3A = arith.constant 0 : i32
      %cond3A_101 = arith.cmpi ne, %convert_element_type3A, %cond3A : i32
      scf.if %cond3A_101 {
        %add3A_183 = arith.constant 4 : i32
        %add3A_184 = arith.addi %add3A_81, %add3A_183 : i32
        %dma_start3A_185 = arith.constant 0 : i32
        %dma_start3A_186 = arith.constant 0 : i32
        %dma_start3A_187 = arith.constant 0 : i32
        %dma_start3A_188 = arith.constant 0 : i32
        %dma_start3A_189 = tpu.memref_slice %arg7[%dma_start3A_186, %dma_start3A_187, %dma_start3A_188] : memref<4x128x64xf32, #tpu.memory_space<vmem>> -> memref<1x128x64xf32, #tpu.memory_space<vmem>>
        %dma_start3A_190 = tpu.memref_squeeze %dma_start3A_189 : memref<1x128x64xf32, #tpu.memory_space<vmem>> -> memref<128x64xf32, #tpu.memory_space<vmem>>
        %dma_start3A_191 = arith.constant 0 : i32
        %dma_start3A_192 = tpu.memref_slice %arg6[%add3A_184, %dma_start3A_185, %dma_start3A_191] : memref<160x2x128xi32, #tpu.memory_space<vmem>> -> memref<1x1x128xi32, #tpu.memory_space<vmem>>
        %dma_start3A_193 = tpu.memref_squeeze %dma_start3A_192 : memref<1x1x128xi32, #tpu.memory_space<vmem>> -> memref<128xi32, #tpu.memory_space<vmem>>
        %dma_start3A_194 = arith.constant 0 : i32
        %dma_start3A_195 = arith.constant 0 : i32
        %dma_start3A_196 = tpu.memref_slice %arg2[%arg0, %dma_start3A_194, %dma_start3A_195] : memref<2x10112x64xf32, #tpu.memory_space<hbm>> -> memref<1x10112x64xf32, #tpu.memory_space<hbm>>
        %dma_start3A_197 = tpu.memref_squeeze %dma_start3A_196 : memref<1x10112x64xf32, #tpu.memory_space<hbm>> -> memref<10112x64xf32, #tpu.memory_space<hbm>>
        %dma_start3A_198 = arith.constant 0 : i32
        %dma_start3A_199 = arith.constant 0 : i32
        %dma_start3A_200 = tpu.memref_slice %dma_start3A_197[%dma_start3A_198, %dma_start3A_199] : memref<10112x64xf32, #tpu.memory_space<hbm>> -> memref<10112x64xf32, #tpu.memory_space<hbm>>
        tpu.enqueue_indirect_dma source(%dma_start3A_200 : memref<10112x64xf32, #tpu.memory_space<hbm>>) target(%dma_start3A_190 : memref<128x64xf32, #tpu.memory_space<vmem>>) offsets(%dma_start3A_193 : memref<128xi32, #tpu.memory_space<vmem>>) semaphore(%arg9 : memref<!tpu.dma_semaphore, #tpu.memory_space<semaphore_mem>>)
      } else {
      }
      %add3A_102 = arith.constant 1 : i32
      %add3A_103 = arith.addi %mul3A_80, %add3A_102 : i32
      %dma_wait3A_104 = arith.constant 0 : i32
      %dma_wait3A_105 = arith.constant 1 : i32
      %dma_wait3A_106 = arith.constant 0 : i32
      %dma_wait3A_107 = arith.constant 0 : i32
      %dma_wait3A_108 = tpu.memref_slice %arg7[%dma_wait3A_105, %dma_wait3A_106, %dma_wait3A_107] : memref<4x128x64xf32, #tpu.memory_space<vmem>> -> memref<1x128x64xf32, #tpu.memory_space<vmem>>
      %dma_wait3A_109 = tpu.memref_squeeze %dma_wait3A_108 : memref<1x128x64xf32, #tpu.memory_space<vmem>> -> memref<128x64xf32, #tpu.memory_space<vmem>>
      %dma_wait3A_110 = arith.constant 0 : i32
      %dma_wait3A_111 = tpu.memref_slice %arg6[%add3A_103, %dma_wait3A_104, %dma_wait3A_110] : memref<160x2x128xi32, #tpu.memory_space<vmem>> -> memref<1x1x128xi32, #tpu.memory_space<vmem>>
      %dma_wait3A_112 = tpu.memref_squeeze %dma_wait3A_111 : memref<1x1x128xi32, #tpu.memory_space<vmem>> -> memref<128xi32, #tpu.memory_space<vmem>>
      %dma_wait3A_113 = arith.constant 0 : i32
      %dma_wait3A_114 = arith.constant 0 : i32
      %dma_wait3A_115 = tpu.memref_slice %arg2[%arg0, %dma_wait3A_113, %dma_wait3A_114] : memref<2x10112x64xf32, #tpu.memory_space<hbm>> -> memref<1x10112x64xf32, #tpu.memory_space<hbm>>
      %dma_wait3A_116 = tpu.memref_squeeze %dma_wait3A_115 : memref<1x10112x64xf32, #tpu.memory_space<hbm>> -> memref<10112x64xf32, #tpu.memory_space<hbm>>
      %dma_wait3A_117 = arith.constant 0 : i32
      %dma_wait3A_118 = arith.constant 0 : i32
      %dma_wait3A_119 = tpu.memref_slice %dma_wait3A_116[%dma_wait3A_117, %dma_wait3A_118] : memref<10112x64xf32, #tpu.memory_space<hbm>> -> memref<10112x64xf32, #tpu.memory_space<hbm>>
      tpu.wait_indirect_dma semaphore(%arg10 : memref<!tpu.dma_semaphore, #tpu.memory_space<semaphore_mem>>) src(%dma_wait3A_119 : memref<10112x64xf32, #tpu.memory_space<hbm>>) dst(%dma_wait3A_109 : memref<128x64xf32, #tpu.memory_space<vmem>>)
      %run_scoped3A_120 = arith.constant 1 : i32
      %run_scoped3A_121 = arith.constant 1 : i32
      "tpu.region"() ({
        %run_scoped3A_183 = tpu.sem_alloc : memref<!tpu.dma_semaphore, #tpu.memory_space<semaphore_mem>>
        %dma_start3A_184 = arith.constant 0 : i32
        %dma_start3A_185 = arith.constant 0 : i32
        %dma_start3A_186 = tpu.memref_slice %arg7[%run_scoped3A_120, %dma_start3A_184, %dma_start3A_185] : memref<4x128x64xf32, #tpu.memory_space<vmem>> -> memref<1x128x64xf32, #tpu.memory_space<vmem>>
        %dma_start3A_187 = tpu.memref_squeeze %dma_start3A_186 : memref<1x128x64xf32, #tpu.memory_space<vmem>> -> memref<128x64xf32, #tpu.memory_space<vmem>>
        %dma_start3A_188 = arith.constant 0 : i32
        %dma_start3A_189 = tpu.memref_slice %arg6[%add3A_103, %run_scoped3A_121, %dma_start3A_188] : memref<160x2x128xi32, #tpu.memory_space<vmem>> -> memref<1x1x128xi32, #tpu.memory_space<vmem>>
        %dma_start3A_190 = tpu.memref_squeeze %dma_start3A_189 : memref<1x1x128xi32, #tpu.memory_space<vmem>> -> memref<128xi32, #tpu.memory_space<vmem>>
        %dma_start3A_191 = arith.constant 0 : i32
        %dma_start3A_192 = arith.constant 0 : i32
        %dma_start3A_193 = tpu.memref_slice %arg8[%dma_start3A_191, %dma_start3A_192] : memref<10112x64xf32, #tpu.memory_space<vmem_shared>> -> memref<10112x64xf32, #tpu.memory_space<vmem_shared>>
        tpu.enqueue_indirect_dma source(%dma_start3A_187 : memref<128x64xf32, #tpu.memory_space<vmem>>) target(%dma_start3A_193 : memref<10112x64xf32, #tpu.memory_space<vmem_shared>>) offsets(%dma_start3A_190 : memref<128xi32, #tpu.memory_space<vmem>>) semaphore(%run_scoped3A_183 : memref<!tpu.dma_semaphore, #tpu.memory_space<semaphore_mem>>) {add = true}
        %dma_wait3A_194 = arith.constant 0 : i32
        %dma_wait3A_195 = arith.constant 0 : i32
        %dma_wait3A_196 = tpu.memref_slice %arg7[%run_scoped3A_120, %dma_wait3A_194, %dma_wait3A_195] : memref<4x128x64xf32, #tpu.memory_space<vmem>> -> memref<1x128x64xf32, #tpu.memory_space<vmem>>
        %dma_wait3A_197 = tpu.memref_squeeze %dma_wait3A_196 : memref<1x128x64xf32, #tpu.memory_space<vmem>> -> memref<128x64xf32, #tpu.memory_space<vmem>>
        %dma_wait3A_198 = arith.constant 0 : i32
        %dma_wait3A_199 = tpu.memref_slice %arg6[%add3A_103, %run_scoped3A_121, %dma_wait3A_198] : memref<160x2x128xi32, #tpu.memory_space<vmem>> -> memref<1x1x128xi32, #tpu.memory_space<vmem>>
        %dma_wait3A_200 = tpu.memref_squeeze %dma_wait3A_199 : memref<1x1x128xi32, #tpu.memory_space<vmem>> -> memref<128xi32, #tpu.memory_space<vmem>>
        %dma_wait3A_201 = arith.constant 0 : i32
        %dma_wait3A_202 = arith.constant 0 : i32
        %dma_wait3A_203 = tpu.memref_slice %arg8[%dma_wait3A_201, %dma_wait3A_202] : memref<10112x64xf32, #tpu.memory_space<vmem_shared>> -> memref<10112x64xf32, #tpu.memory_space<vmem_shared>>
        tpu.wait_indirect_dma semaphore(%run_scoped3A_183 : memref<!tpu.dma_semaphore, #tpu.memory_space<semaphore_mem>>) src(%dma_wait3A_197 : memref<128x64xf32, #tpu.memory_space<vmem>>) dst(%dma_wait3A_203 : memref<10112x64xf32, #tpu.memory_space<vmem_shared>>)
        tpu.yield
      }) : () -> ()
      %add3A_122 = arith.constant 4 : i32
      %add3A_123 = arith.addi %add3A_103, %add3A_122 : i32
      %lt3A_124 = arith.constant 160 : i32
      %lt3A_125 = arith.cmpi slt, %add3A_123, %lt3A_124 : i32
      %convert_element_type3A_126 = arith.extui %lt3A_125 : i1 to i32
      %cond3A_127 = arith.constant 0 : i32
      %cond3A_128 = arith.cmpi ne, %convert_element_type3A_126, %cond3A_127 : i32
      scf.if %cond3A_128 {
        %add3A_183 = arith.constant 4 : i32
        %add3A_184 = arith.addi %add3A_103, %add3A_183 : i32
        %dma_start3A_185 = arith.constant 0 : i32
        %dma_start3A_186 = arith.constant 1 : i32
        %dma_start3A_187 = arith.constant 0 : i32
        %dma_start3A_188 = arith.constant 0 : i32
        %dma_start3A_189 = tpu.memref_slice %arg7[%dma_start3A_186, %dma_start3A_187, %dma_start3A_188] : memref<4x128x64xf32, #tpu.memory_space<vmem>> -> memref<1x128x64xf32, #tpu.memory_space<vmem>>
        %dma_start3A_190 = tpu.memref_squeeze %dma_start3A_189 : memref<1x128x64xf32, #tpu.memory_space<vmem>> -> memref<128x64xf32, #tpu.memory_space<vmem>>
        %dma_start3A_191 = arith.constant 0 : i32
        %dma_start3A_192 = tpu.memref_slice %arg6[%add3A_184, %dma_start3A_185, %dma_start3A_191] : memref<160x2x128xi32, #tpu.memory_space<vmem>> -> memref<1x1x128xi32, #tpu.memory_space<vmem>>
        %dma_start3A_193 = tpu.memref_squeeze %dma_start3A_192 : memref<1x1x128xi32, #tpu.memory_space<vmem>> -> memref<128xi32, #tpu.memory_space<vmem>>
        %dma_start3A_194 = arith.constant 0 : i32
        %dma_start3A_195 = arith.constant 0 : i32
        %dma_start3A_196 = tpu.memref_slice %arg2[%arg0, %dma_start3A_194, %dma_start3A_195] : memref<2x10112x64xf32, #tpu.memory_space<hbm>> -> memref<1x10112x64xf32, #tpu.memory_space<hbm>>
        %dma_start3A_197 = tpu.memref_squeeze %dma_start3A_196 : memref<1x10112x64xf32, #tpu.memory_space<hbm>> -> memref<10112x64xf32, #tpu.memory_space<hbm>>
        %dma_start3A_198 = arith.constant 0 : i32
        %dma_start3A_199 = arith.constant 0 : i32
        %dma_start3A_200 = tpu.memref_slice %dma_start3A_197[%dma_start3A_198, %dma_start3A_199] : memref<10112x64xf32, #tpu.memory_space<hbm>> -> memref<10112x64xf32, #tpu.memory_space<hbm>>
        tpu.enqueue_indirect_dma source(%dma_start3A_200 : memref<10112x64xf32, #tpu.memory_space<hbm>>) target(%dma_start3A_190 : memref<128x64xf32, #tpu.memory_space<vmem>>) offsets(%dma_start3A_193 : memref<128xi32, #tpu.memory_space<vmem>>) semaphore(%arg10 : memref<!tpu.dma_semaphore, #tpu.memory_space<semaphore_mem>>)
      } else {
      }
      %add3A_129 = arith.constant 2 : i32
      %add3A_130 = arith.addi %mul3A_80, %add3A_129 : i32
      %dma_wait3A_131 = arith.constant 0 : i32
      %dma_wait3A_132 = arith.constant 2 : i32
      %dma_wait3A_133 = arith.constant 0 : i32
      %dma_wait3A_134 = arith.constant 0 : i32
      %dma_wait3A_135 = tpu.memref_slice %arg7[%dma_wait3A_132, %dma_wait3A_133, %dma_wait3A_134] : memref<4x128x64xf32, #tpu.memory_space<vmem>> -> memref<1x128x64xf32, #tpu.memory_space<vmem>>
      %dma_wait3A_136 = tpu.memref_squeeze %dma_wait3A_135 : memref<1x128x64xf32, #tpu.memory_space<vmem>> -> memref<128x64xf32, #tpu.memory_space<vmem>>
      %dma_wait3A_137 = arith.constant 0 : i32
      %dma_wait3A_138 = tpu.memref_slice %arg6[%add3A_130, %dma_wait3A_131, %dma_wait3A_137] : memref<160x2x128xi32, #tpu.memory_space<vmem>> -> memref<1x1x128xi32, #tpu.memory_space<vmem>>
      %dma_wait3A_139 = tpu.memref_squeeze %dma_wait3A_138 : memref<1x1x128xi32, #tpu.memory_space<vmem>> -> memref<128xi32, #tpu.memory_space<vmem>>
      %dma_wait3A_140 = arith.constant 0 : i32
      %dma_wait3A_141 = arith.constant 0 : i32
      %dma_wait3A_142 = tpu.memref_slice %arg2[%arg0, %dma_wait3A_140, %dma_wait3A_141] : memref<2x10112x64xf32, #tpu.memory_space<hbm>> -> memref<1x10112x64xf32, #tpu.memory_space<hbm>>
      %dma_wait3A_143 = tpu.memref_squeeze %dma_wait3A_142 : memref<1x10112x64xf32, #tpu.memory_space<hbm>> -> memref<10112x64xf32, #tpu.memory_space<hbm>>
      %dma_wait3A_144 = arith.constant 0 : i32
      %dma_wait3A_145 = arith.constant 0 : i32
      %dma_wait3A_146 = tpu.memref_slice %dma_wait3A_143[%dma_wait3A_144, %dma_wait3A_145] : memref<10112x64xf32, #tpu.memory_space<hbm>> -> memref<10112x64xf32, #tpu.memory_space<hbm>>
      tpu.wait_indirect_dma semaphore(%arg11 : memref<!tpu.dma_semaphore, #tpu.memory_space<semaphore_mem>>) src(%dma_wait3A_146 : memref<10112x64xf32, #tpu.memory_space<hbm>>) dst(%dma_wait3A_136 : memref<128x64xf32, #tpu.memory_space<vmem>>)
      %run_scoped3A_147 = arith.constant 2 : i32
      %run_scoped3A_148 = arith.constant 1 : i32
      "tpu.region"() ({
        %run_scoped3A_183 = tpu.sem_alloc : memref<!tpu.dma_semaphore, #tpu.memory_space<semaphore_mem>>
        %dma_start3A_184 = arith.constant 0 : i32
        %dma_start3A_185 = arith.constant 0 : i32
        %dma_start3A_186 = tpu.memref_slice %arg7[%run_scoped3A_147, %dma_start3A_184, %dma_start3A_185] : memref<4x128x64xf32, #tpu.memory_space<vmem>> -> memref<1x128x64xf32, #tpu.memory_space<vmem>>
        %dma_start3A_187 = tpu.memref_squeeze %dma_start3A_186 : memref<1x128x64xf32, #tpu.memory_space<vmem>> -> memref<128x64xf32, #tpu.memory_space<vmem>>
        %dma_start3A_188 = arith.constant 0 : i32
        %dma_start3A_189 = tpu.memref_slice %arg6[%add3A_130, %run_scoped3A_148, %dma_start3A_188] : memref<160x2x128xi32, #tpu.memory_space<vmem>> -> memref<1x1x128xi32, #tpu.memory_space<vmem>>
        %dma_start3A_190 = tpu.memref_squeeze %dma_start3A_189 : memref<1x1x128xi32, #tpu.memory_space<vmem>> -> memref<128xi32, #tpu.memory_space<vmem>>
        %dma_start3A_191 = arith.constant 0 : i32
        %dma_start3A_192 = arith.constant 0 : i32
        %dma_start3A_193 = tpu.memref_slice %arg8[%dma_start3A_191, %dma_start3A_192] : memref<10112x64xf32, #tpu.memory_space<vmem_shared>> -> memref<10112x64xf32, #tpu.memory_space<vmem_shared>>
        tpu.enqueue_indirect_dma source(%dma_start3A_187 : memref<128x64xf32, #tpu.memory_space<vmem>>) target(%dma_start3A_193 : memref<10112x64xf32, #tpu.memory_space<vmem_shared>>) offsets(%dma_start3A_190 : memref<128xi32, #tpu.memory_space<vmem>>) semaphore(%run_scoped3A_183 : memref<!tpu.dma_semaphore, #tpu.memory_space<semaphore_mem>>) {add = true}
        %dma_wait3A_194 = arith.constant 0 : i32
        %dma_wait3A_195 = arith.constant 0 : i32
        %dma_wait3A_196 = tpu.memref_slice %arg7[%run_scoped3A_147, %dma_wait3A_194, %dma_wait3A_195] : memref<4x128x64xf32, #tpu.memory_space<vmem>> -> memref<1x128x64xf32, #tpu.memory_space<vmem>>
        %dma_wait3A_197 = tpu.memref_squeeze %dma_wait3A_196 : memref<1x128x64xf32, #tpu.memory_space<vmem>> -> memref<128x64xf32, #tpu.memory_space<vmem>>
        %dma_wait3A_198 = arith.constant 0 : i32
        %dma_wait3A_199 = tpu.memref_slice %arg6[%add3A_130, %run_scoped3A_148, %dma_wait3A_198] : memref<160x2x128xi32, #tpu.memory_space<vmem>> -> memref<1x1x128xi32, #tpu.memory_space<vmem>>
        %dma_wait3A_200 = tpu.memref_squeeze %dma_wait3A_199 : memref<1x1x128xi32, #tpu.memory_space<vmem>> -> memref<128xi32, #tpu.memory_space<vmem>>
        %dma_wait3A_201 = arith.constant 0 : i32
        %dma_wait3A_202 = arith.constant 0 : i32
        %dma_wait3A_203 = tpu.memref_slice %arg8[%dma_wait3A_201, %dma_wait3A_202] : memref<10112x64xf32, #tpu.memory_space<vmem_shared>> -> memref<10112x64xf32, #tpu.memory_space<vmem_shared>>
        tpu.wait_indirect_dma semaphore(%run_scoped3A_183 : memref<!tpu.dma_semaphore, #tpu.memory_space<semaphore_mem>>) src(%dma_wait3A_197 : memref<128x64xf32, #tpu.memory_space<vmem>>) dst(%dma_wait3A_203 : memref<10112x64xf32, #tpu.memory_space<vmem_shared>>)
        tpu.yield
      }) : () -> ()
      %add3A_149 = arith.constant 4 : i32
      %add3A_150 = arith.addi %add3A_130, %add3A_149 : i32
      %lt3A_151 = arith.constant 160 : i32
      %lt3A_152 = arith.cmpi slt, %add3A_150, %lt3A_151 : i32
      %convert_element_type3A_153 = arith.extui %lt3A_152 : i1 to i32
      %cond3A_154 = arith.constant 0 : i32
      %cond3A_155 = arith.cmpi ne, %convert_element_type3A_153, %cond3A_154 : i32
      scf.if %cond3A_155 {
        %add3A_183 = arith.constant 4 : i32
        %add3A_184 = arith.addi %add3A_130, %add3A_183 : i32
        %dma_start3A_185 = arith.constant 0 : i32
        %dma_start3A_186 = arith.constant 2 : i32
        %dma_start3A_187 = arith.constant 0 : i32
        %dma_start3A_188 = arith.constant 0 : i32
        %dma_start3A_189 = tpu.memref_slice %arg7[%dma_start3A_186, %dma_start3A_187, %dma_start3A_188] : memref<4x128x64xf32, #tpu.memory_space<vmem>> -> memref<1x128x64xf32, #tpu.memory_space<vmem>>
        %dma_start3A_190 = tpu.memref_squeeze %dma_start3A_189 : memref<1x128x64xf32, #tpu.memory_space<vmem>> -> memref<128x64xf32, #tpu.memory_space<vmem>>
        %dma_start3A_191 = arith.constant 0 : i32
        %dma_start3A_192 = tpu.memref_slice %arg6[%add3A_184, %dma_start3A_185, %dma_start3A_191] : memref<160x2x128xi32, #tpu.memory_space<vmem>> -> memref<1x1x128xi32, #tpu.memory_space<vmem>>
        %dma_start3A_193 = tpu.memref_squeeze %dma_start3A_192 : memref<1x1x128xi32, #tpu.memory_space<vmem>> -> memref<128xi32, #tpu.memory_space<vmem>>
        %dma_start3A_194 = arith.constant 0 : i32
        %dma_start3A_195 = arith.constant 0 : i32
        %dma_start3A_196 = tpu.memref_slice %arg2[%arg0, %dma_start3A_194, %dma_start3A_195] : memref<2x10112x64xf32, #tpu.memory_space<hbm>> -> memref<1x10112x64xf32, #tpu.memory_space<hbm>>
        %dma_start3A_197 = tpu.memref_squeeze %dma_start3A_196 : memref<1x10112x64xf32, #tpu.memory_space<hbm>> -> memref<10112x64xf32, #tpu.memory_space<hbm>>
        %dma_start3A_198 = arith.constant 0 : i32
        %dma_start3A_199 = arith.constant 0 : i32
        %dma_start3A_200 = tpu.memref_slice %dma_start3A_197[%dma_start3A_198, %dma_start3A_199] : memref<10112x64xf32, #tpu.memory_space<hbm>> -> memref<10112x64xf32, #tpu.memory_space<hbm>>
        tpu.enqueue_indirect_dma source(%dma_start3A_200 : memref<10112x64xf32, #tpu.memory_space<hbm>>) target(%dma_start3A_190 : memref<128x64xf32, #tpu.memory_space<vmem>>) offsets(%dma_start3A_193 : memref<128xi32, #tpu.memory_space<vmem>>) semaphore(%arg11 : memref<!tpu.dma_semaphore, #tpu.memory_space<semaphore_mem>>)
      } else {
      }
      %add3A_156 = arith.constant 3 : i32
      %add3A_157 = arith.addi %mul3A_80, %add3A_156 : i32
      %dma_wait3A_158 = arith.constant 0 : i32
      %dma_wait3A_159 = arith.constant 3 : i32
      %dma_wait3A_160 = arith.constant 0 : i32
      %dma_wait3A_161 = arith.constant 0 : i32
      %dma_wait3A_162 = tpu.memref_slice %arg7[%dma_wait3A_159, %dma_wait3A_160, %dma_wait3A_161] : memref<4x128x64xf32, #tpu.memory_space<vmem>> -> memref<1x128x64xf32, #tpu.memory_space<vmem>>
      %dma_wait3A_163 = tpu.memref_squeeze %dma_wait3A_162 : memref<1x128x64xf32, #tpu.memory_space<vmem>> -> memref<128x64xf32, #tpu.memory_space<vmem>>
      %dma_wait3A_164 = arith.constant 0 : i32
      %dma_wait3A_165 = tpu.memref_slice %arg6[%add3A_157, %dma_wait3A_158, %dma_wait3A_164] : memref<160x2x128xi32, #tpu.memory_space<vmem>> -> memref<1x1x128xi32, #tpu.memory_space<vmem>>
      %dma_wait3A_166 = tpu.memref_squeeze %dma_wait3A_165 : memref<1x1x128xi32, #tpu.memory_space<vmem>> -> memref<128xi32, #tpu.memory_space<vmem>>
      %dma_wait3A_167 = arith.constant 0 : i32
      %dma_wait3A_168 = arith.constant 0 : i32
      %dma_wait3A_169 = tpu.memref_slice %arg2[%arg0, %dma_wait3A_167, %dma_wait3A_168] : memref<2x10112x64xf32, #tpu.memory_space<hbm>> -> memref<1x10112x64xf32, #tpu.memory_space<hbm>>
      %dma_wait3A_170 = tpu.memref_squeeze %dma_wait3A_169 : memref<1x10112x64xf32, #tpu.memory_space<hbm>> -> memref<10112x64xf32, #tpu.memory_space<hbm>>
      %dma_wait3A_171 = arith.constant 0 : i32
      %dma_wait3A_172 = arith.constant 0 : i32
      %dma_wait3A_173 = tpu.memref_slice %dma_wait3A_170[%dma_wait3A_171, %dma_wait3A_172] : memref<10112x64xf32, #tpu.memory_space<hbm>> -> memref<10112x64xf32, #tpu.memory_space<hbm>>
      tpu.wait_indirect_dma semaphore(%arg12 : memref<!tpu.dma_semaphore, #tpu.memory_space<semaphore_mem>>) src(%dma_wait3A_173 : memref<10112x64xf32, #tpu.memory_space<hbm>>) dst(%dma_wait3A_163 : memref<128x64xf32, #tpu.memory_space<vmem>>)
      %run_scoped3A_174 = arith.constant 3 : i32
      %run_scoped3A_175 = arith.constant 1 : i32
      "tpu.region"() ({
        %run_scoped3A_183 = tpu.sem_alloc : memref<!tpu.dma_semaphore, #tpu.memory_space<semaphore_mem>>
        %dma_start3A_184 = arith.constant 0 : i32
        %dma_start3A_185 = arith.constant 0 : i32
        %dma_start3A_186 = tpu.memref_slice %arg7[%run_scoped3A_174, %dma_start3A_184, %dma_start3A_185] : memref<4x128x64xf32, #tpu.memory_space<vmem>> -> memref<1x128x64xf32, #tpu.memory_space<vmem>>
        %dma_start3A_187 = tpu.memref_squeeze %dma_start3A_186 : memref<1x128x64xf32, #tpu.memory_space<vmem>> -> memref<128x64xf32, #tpu.memory_space<vmem>>
        %dma_start3A_188 = arith.constant 0 : i32
        %dma_start3A_189 = tpu.memref_slice %arg6[%add3A_157, %run_scoped3A_175, %dma_start3A_188] : memref<160x2x128xi32, #tpu.memory_space<vmem>> -> memref<1x1x128xi32, #tpu.memory_space<vmem>>
        %dma_start3A_190 = tpu.memref_squeeze %dma_start3A_189 : memref<1x1x128xi32, #tpu.memory_space<vmem>> -> memref<128xi32, #tpu.memory_space<vmem>>
        %dma_start3A_191 = arith.constant 0 : i32
        %dma_start3A_192 = arith.constant 0 : i32
        %dma_start3A_193 = tpu.memref_slice %arg8[%dma_start3A_191, %dma_start3A_192] : memref<10112x64xf32, #tpu.memory_space<vmem_shared>> -> memref<10112x64xf32, #tpu.memory_space<vmem_shared>>
        tpu.enqueue_indirect_dma source(%dma_start3A_187 : memref<128x64xf32, #tpu.memory_space<vmem>>) target(%dma_start3A_193 : memref<10112x64xf32, #tpu.memory_space<vmem_shared>>) offsets(%dma_start3A_190 : memref<128xi32, #tpu.memory_space<vmem>>) semaphore(%run_scoped3A_183 : memref<!tpu.dma_semaphore, #tpu.memory_space<semaphore_mem>>) {add = true}
        %dma_wait3A_194 = arith.constant 0 : i32
        %dma_wait3A_195 = arith.constant 0 : i32
        %dma_wait3A_196 = tpu.memref_slice %arg7[%run_scoped3A_174, %dma_wait3A_194, %dma_wait3A_195] : memref<4x128x64xf32, #tpu.memory_space<vmem>> -> memref<1x128x64xf32, #tpu.memory_space<vmem>>
        %dma_wait3A_197 = tpu.memref_squeeze %dma_wait3A_196 : memref<1x128x64xf32, #tpu.memory_space<vmem>> -> memref<128x64xf32, #tpu.memory_space<vmem>>
        %dma_wait3A_198 = arith.constant 0 : i32
        %dma_wait3A_199 = tpu.memref_slice %arg6[%add3A_157, %run_scoped3A_175, %dma_wait3A_198] : memref<160x2x128xi32, #tpu.memory_space<vmem>> -> memref<1x1x128xi32, #tpu.memory_space<vmem>>
        %dma_wait3A_200 = tpu.memref_squeeze %dma_wait3A_199 : memref<1x1x128xi32, #tpu.memory_space<vmem>> -> memref<128xi32, #tpu.memory_space<vmem>>
        %dma_wait3A_201 = arith.constant 0 : i32
        %dma_wait3A_202 = arith.constant 0 : i32
        %dma_wait3A_203 = tpu.memref_slice %arg8[%dma_wait3A_201, %dma_wait3A_202] : memref<10112x64xf32, #tpu.memory_space<vmem_shared>> -> memref<10112x64xf32, #tpu.memory_space<vmem_shared>>
        tpu.wait_indirect_dma semaphore(%run_scoped3A_183 : memref<!tpu.dma_semaphore, #tpu.memory_space<semaphore_mem>>) src(%dma_wait3A_197 : memref<128x64xf32, #tpu.memory_space<vmem>>) dst(%dma_wait3A_203 : memref<10112x64xf32, #tpu.memory_space<vmem_shared>>)
        tpu.yield
      }) : () -> ()
      %add3A_176 = arith.constant 4 : i32
      %add3A_177 = arith.addi %add3A_157, %add3A_176 : i32
      %lt3A_178 = arith.constant 160 : i32
      %lt3A_179 = arith.cmpi slt, %add3A_177, %lt3A_178 : i32
      %convert_element_type3A_180 = arith.extui %lt3A_179 : i1 to i32
      %cond3A_181 = arith.constant 0 : i32
      %cond3A_182 = arith.cmpi ne, %convert_element_type3A_180, %cond3A_181 : i32
      scf.if %cond3A_182 {
        %add3A_183 = arith.constant 4 : i32
        %add3A_184 = arith.addi %add3A_157, %add3A_183 : i32
        %dma_start3A_185 = arith.constant 0 : i32
        %dma_start3A_186 = arith.constant 3 : i32
        %dma_start3A_187 = arith.constant 0 : i32
        %dma_start3A_188 = arith.constant 0 : i32
        %dma_start3A_189 = tpu.memref_slice %arg7[%dma_start3A_186, %dma_start3A_187, %dma_start3A_188] : memref<4x128x64xf32, #tpu.memory_space<vmem>> -> memref<1x128x64xf32, #tpu.memory_space<vmem>>
        %dma_start3A_190 = tpu.memref_squeeze %dma_start3A_189 : memref<1x128x64xf32, #tpu.memory_space<vmem>> -> memref<128x64xf32, #tpu.memory_space<vmem>>
        %dma_start3A_191 = arith.constant 0 : i32
        %dma_start3A_192 = tpu.memref_slice %arg6[%add3A_184, %dma_start3A_185, %dma_start3A_191] : memref<160x2x128xi32, #tpu.memory_space<vmem>> -> memref<1x1x128xi32, #tpu.memory_space<vmem>>
        %dma_start3A_193 = tpu.memref_squeeze %dma_start3A_192 : memref<1x1x128xi32, #tpu.memory_space<vmem>> -> memref<128xi32, #tpu.memory_space<vmem>>
        %dma_start3A_194 = arith.constant 0 : i32
        %dma_start3A_195 = arith.constant 0 : i32
        %dma_start3A_196 = tpu.memref_slice %arg2[%arg0, %dma_start3A_194, %dma_start3A_195] : memref<2x10112x64xf32, #tpu.memory_space<hbm>> -> memref<1x10112x64xf32, #tpu.memory_space<hbm>>
        %dma_start3A_197 = tpu.memref_squeeze %dma_start3A_196 : memref<1x10112x64xf32, #tpu.memory_space<hbm>> -> memref<10112x64xf32, #tpu.memory_space<hbm>>
        %dma_start3A_198 = arith.constant 0 : i32
        %dma_start3A_199 = arith.constant 0 : i32
        %dma_start3A_200 = tpu.memref_slice %dma_start3A_197[%dma_start3A_198, %dma_start3A_199] : memref<10112x64xf32, #tpu.memory_space<hbm>> -> memref<10112x64xf32, #tpu.memory_space<hbm>>
        tpu.enqueue_indirect_dma source(%dma_start3A_200 : memref<10112x64xf32, #tpu.memory_space<hbm>>) target(%dma_start3A_190 : memref<128x64xf32, #tpu.memory_space<vmem>>) offsets(%dma_start3A_193 : memref<128xi32, #tpu.memory_space<vmem>>) semaphore(%arg12 : memref<!tpu.dma_semaphore, #tpu.memory_space<semaphore_mem>>)
      } else {
      }
    }
    %scan3A_72 = arith.constant 40 : i32
    %barrier3A_73 = arith.constant 0 : index
    tpu.barrier barrier_id(%barrier3A_73)
    %mul3A_74 = arith.constant 632 : i32
    %mul3A_75 = arith.muli %arg1, %mul3A_74 : i32
    %mul3A_76 = arith.constant 632 : i32
    %mul3A_77 = arith.muli %arg1, %mul3A_76 : i32
    "tpu.region"() ({
      %run_scoped3A = tpu.sem_alloc : memref<!tpu.dma_semaphore, #tpu.memory_space<semaphore_mem>>
      %dma_start3A_78 = arith.constant 0 : i32
      %dma_start3A_79 = tpu.memref_slice %arg5[%arg0, %mul3A_77, %dma_start3A_78] : memref<2x10112x64xf32, #tpu.memory_space<hbm>> -> memref<1x632x64xf32, #tpu.memory_space<hbm>>
      %dma_start3A_80 = tpu.memref_squeeze %dma_start3A_79 : memref<1x632x64xf32, #tpu.memory_space<hbm>> -> memref<632x64xf32, #tpu.memory_space<hbm>>
      %dma_start3A_81 = arith.constant 0 : i32
      %dma_start3A_82 = tpu.memref_slice %arg8[%mul3A_75, %dma_start3A_81] : memref<10112x64xf32, #tpu.memory_space<vmem_shared>> -> memref<632x64xf32, #tpu.memory_space<vmem_shared>>
      tpu.enqueue_dma source(%dma_start3A_82 : memref<632x64xf32, #tpu.memory_space<vmem_shared>>) target(%dma_start3A_80 : memref<632x64xf32, #tpu.memory_space<hbm>>) target_semaphore(%run_scoped3A : memref<!tpu.dma_semaphore, #tpu.memory_space<semaphore_mem>>)
      %dma_wait3A = arith.constant 0 : i32
      %dma_wait3A_83 = tpu.memref_slice %arg5[%arg0, %mul3A_77, %dma_wait3A] : memref<2x10112x64xf32, #tpu.memory_space<hbm>> -> memref<1x632x64xf32, #tpu.memory_space<hbm>>
      %dma_wait3A_84 = tpu.memref_squeeze %dma_wait3A_83 : memref<1x632x64xf32, #tpu.memory_space<hbm>> -> memref<632x64xf32, #tpu.memory_space<hbm>>
      %dma_wait3A_85 = arith.constant 0 : i32
      %dma_wait3A_86 = tpu.memref_slice %arg8[%mul3A_75, %dma_wait3A_85] : memref<10112x64xf32, #tpu.memory_space<vmem_shared>> -> memref<632x64xf32, #tpu.memory_space<vmem_shared>>
      tpu.wait_dma2 semaphore(%run_scoped3A : memref<!tpu.dma_semaphore, #tpu.memory_space<semaphore_mem>>) src(%dma_wait3A_86 : memref<632x64xf32, #tpu.memory_space<vmem_shared>>) dst(%dma_wait3A_84 : memref<632x64xf32, #tpu.memory_space<hbm>>)
      tpu.yield
    }) : () -> ()
    return
  }
}

#map = affine_map<(d0, d1) -> (0, 0, 0, 0)>
#map1 = affine_map<(d0, d1) -> (0, 0)>
#map2 = affine_map<(d0, d1) -> (0, 0, 0)>
module attributes {stable_mosaic.version = 14 : i64} {
  func.func @_deg_body(%arg0: i32, %arg1: i32, %arg2: memref<16x160x2x128xi32, #tpu.memory_space<hbm>>, %arg3: memref<632x16xf32, #tpu.memory_space<hbm>>, %arg4: memref<128x16xf32, #tpu.memory_space<hbm>>, %arg5: memref<2x16x632xf32, #tpu.memory_space<hbm>>, %arg6: memref<80x2x128xi32, #tpu.memory_space<vmem>>, %arg7: memref<128x16xf32, #tpu.memory_space<vmem>>, %arg8: memref<632x16xf32, #tpu.memory_space<vmem>>, %arg9: memref<632xf32, #tpu.memory_space<vmem>>, %arg10: memref<10112x16xf32, #tpu.memory_space<vmem_shared>>) attributes {dimension_semantics = [#tpu.dimension_semantics<core_parallel>, #tpu.dimension_semantics<subcore_parallel>], iteration_bounds = array<i64: 2, 16>, scalar_prefetch = 0 : i64, scratch_operands = 5 : i64, tpu.core_type = #tpu.core_type<sc_vector_subcore>, window_params = [{transform_indices = #map}, {transform_indices = #map1}, {transform_indices = #map1}, {transform_indices = #map2}]} {
    %mul3A = arith.constant 632 : i32
    %mul3A_0 = arith.muli %arg1, %mul3A : i32
    "tpu.region"() ({
      %run_scoped3A = tpu.sem_alloc : memref<!tpu.dma_semaphore, #tpu.memory_space<semaphore_mem>>
      %dma_start3A = arith.constant 0 : i32
      %dma_start3A_18 = tpu.memref_slice %arg10[%mul3A_0, %dma_start3A] : memref<10112x16xf32, #tpu.memory_space<vmem_shared>> -> memref<632x16xf32, #tpu.memory_space<vmem_shared>>
      tpu.enqueue_dma source(%arg3 : memref<632x16xf32, #tpu.memory_space<hbm>>) target(%dma_start3A_18 : memref<632x16xf32, #tpu.memory_space<vmem_shared>>) target_semaphore(%run_scoped3A : memref<!tpu.dma_semaphore, #tpu.memory_space<semaphore_mem>>)
      %dma_wait3A = arith.constant 0 : i32
      %dma_wait3A_19 = tpu.memref_slice %arg10[%mul3A_0, %dma_wait3A] : memref<10112x16xf32, #tpu.memory_space<vmem_shared>> -> memref<632x16xf32, #tpu.memory_space<vmem_shared>>
      tpu.wait_dma2 semaphore(%run_scoped3A : memref<!tpu.dma_semaphore, #tpu.memory_space<semaphore_mem>>) src(%arg3 : memref<632x16xf32, #tpu.memory_space<hbm>>) dst(%dma_wait3A_19 : memref<632x16xf32, #tpu.memory_space<vmem_shared>>)
      tpu.yield
    }) : () -> ()
    %mul3A_1 = arith.constant 80 : i32
    %mul3A_2 = arith.muli %arg0, %mul3A_1 : i32
    "tpu.region"() ({
      %run_scoped3A = tpu.sem_alloc : memref<!tpu.dma_semaphore, #tpu.memory_space<semaphore_mem>>
      %dma_start3A = arith.constant 0 : i32
      %dma_start3A_18 = arith.constant 0 : i32
      %dma_start3A_19 = tpu.memref_slice %arg2[%arg1, %mul3A_2, %dma_start3A, %dma_start3A_18] : memref<16x160x2x128xi32, #tpu.memory_space<hbm>> -> memref<1x80x2x128xi32, #tpu.memory_space<hbm>>
      %dma_start3A_20 = tpu.memref_squeeze %dma_start3A_19 : memref<1x80x2x128xi32, #tpu.memory_space<hbm>> -> memref<80x2x128xi32, #tpu.memory_space<hbm>>
      %dma_start3A_21 = arith.constant 0 : i32
      %dma_start3A_22 = arith.constant 0 : i32
      %dma_start3A_23 = tpu.memref_slice %arg2[%arg1, %mul3A_2, %dma_start3A_21, %dma_start3A_22] : memref<16x160x2x128xi32, #tpu.memory_space<hbm>> -> memref<1x80x2x128xi32, #tpu.memory_space<hbm>>
      %dma_start3A_24 = tpu.memref_squeeze %dma_start3A_23 : memref<1x80x2x128xi32, #tpu.memory_space<hbm>> -> memref<80x2x128xi32, #tpu.memory_space<hbm>>
      tpu.enqueue_dma source(%dma_start3A_24 : memref<80x2x128xi32, #tpu.memory_space<hbm>>) target(%arg6 : memref<80x2x128xi32, #tpu.memory_space<vmem>>) target_semaphore(%run_scoped3A : memref<!tpu.dma_semaphore, #tpu.memory_space<semaphore_mem>>)
      %dma_wait3A = arith.constant 0 : i32
      %dma_wait3A_25 = arith.constant 0 : i32
      %dma_wait3A_26 = tpu.memref_slice %arg2[%arg1, %mul3A_2, %dma_wait3A, %dma_wait3A_25] : memref<16x160x2x128xi32, #tpu.memory_space<hbm>> -> memref<1x80x2x128xi32, #tpu.memory_space<hbm>>
      %dma_wait3A_27 = tpu.memref_squeeze %dma_wait3A_26 : memref<1x80x2x128xi32, #tpu.memory_space<hbm>> -> memref<80x2x128xi32, #tpu.memory_space<hbm>>
      %dma_wait3A_28 = arith.constant 0 : i32
      %dma_wait3A_29 = arith.constant 0 : i32
      %dma_wait3A_30 = tpu.memref_slice %arg2[%arg1, %mul3A_2, %dma_wait3A_28, %dma_wait3A_29] : memref<16x160x2x128xi32, #tpu.memory_space<hbm>> -> memref<1x80x2x128xi32, #tpu.memory_space<hbm>>
      %dma_wait3A_31 = tpu.memref_squeeze %dma_wait3A_30 : memref<1x80x2x128xi32, #tpu.memory_space<hbm>> -> memref<80x2x128xi32, #tpu.memory_space<hbm>>
      tpu.wait_dma2 semaphore(%run_scoped3A : memref<!tpu.dma_semaphore, #tpu.memory_space<semaphore_mem>>) src(%dma_wait3A_31 : memref<80x2x128xi32, #tpu.memory_space<hbm>>) dst(%arg6 : memref<80x2x128xi32, #tpu.memory_space<vmem>>)
      tpu.yield
    }) : () -> ()
    "tpu.region"() ({
      %run_scoped3A = tpu.sem_alloc : memref<!tpu.dma_semaphore, #tpu.memory_space<semaphore_mem>>
      tpu.enqueue_dma source(%arg4 : memref<128x16xf32, #tpu.memory_space<hbm>>) target(%arg7 : memref<128x16xf32, #tpu.memory_space<vmem>>) target_semaphore(%run_scoped3A : memref<!tpu.dma_semaphore, #tpu.memory_space<semaphore_mem>>)
      tpu.wait_dma2 semaphore(%run_scoped3A : memref<!tpu.dma_semaphore, #tpu.memory_space<semaphore_mem>>) src(%arg4 : memref<128x16xf32, #tpu.memory_space<hbm>>) dst(%arg7 : memref<128x16xf32, #tpu.memory_space<vmem>>)
      tpu.yield
    }) : () -> ()
    %barrier3A = arith.constant 0 : index
    tpu.barrier barrier_id(%barrier3A)
    %scan3A = arith.constant 0 : i32
    %scan3A_3 = arith.constant 0 : i32
    %scan3A_4 = arith.constant 80 : i32
    %scan3A_5 = arith.addi %scan3A_3, %scan3A_4 : i32
    %scan3A_6 = arith.constant 1 : i32
    scf.for %scan3A_18 = %scan3A_3 to %scan3A_5 step %scan3A_6  : i32 {
      %run_scoped3A = arith.constant 1 : i32
      "tpu.region"() ({
        %run_scoped3A_19 = tpu.sem_alloc : memref<!tpu.dma_semaphore, #tpu.memory_space<semaphore_mem>>
        %dma_start3A = arith.constant 0 : i32
        %dma_start3A_20 = tpu.memref_slice %arg6[%scan3A_18, %run_scoped3A, %dma_start3A] : memref<80x2x128xi32, #tpu.memory_space<vmem>> -> memref<1x1x128xi32, #tpu.memory_space<vmem>>
        %dma_start3A_21 = tpu.memref_squeeze %dma_start3A_20 : memref<1x1x128xi32, #tpu.memory_space<vmem>> -> memref<128xi32, #tpu.memory_space<vmem>>
        %dma_start3A_22 = arith.constant 0 : i32
        %dma_start3A_23 = arith.constant 0 : i32
        %dma_start3A_24 = tpu.memref_slice %arg10[%dma_start3A_22, %dma_start3A_23] : memref<10112x16xf32, #tpu.memory_space<vmem_shared>> -> memref<10112x16xf32, #tpu.memory_space<vmem_shared>>
        tpu.enqueue_indirect_dma source(%arg7 : memref<128x16xf32, #tpu.memory_space<vmem>>) target(%dma_start3A_24 : memref<10112x16xf32, #tpu.memory_space<vmem_shared>>) offsets(%dma_start3A_21 : memref<128xi32, #tpu.memory_space<vmem>>) semaphore(%run_scoped3A_19 : memref<!tpu.dma_semaphore, #tpu.memory_space<semaphore_mem>>) {add = true}
        %dma_wait3A = arith.constant 0 : i32
        %dma_wait3A_25 = tpu.memref_slice %arg6[%scan3A_18, %run_scoped3A, %dma_wait3A] : memref<80x2x128xi32, #tpu.memory_space<vmem>> -> memref<1x1x128xi32, #tpu.memory_space<vmem>>
        %dma_wait3A_26 = tpu.memref_squeeze %dma_wait3A_25 : memref<1x1x128xi32, #tpu.memory_space<vmem>> -> memref<128xi32, #tpu.memory_space<vmem>>
        %dma_wait3A_27 = arith.constant 0 : i32
        %dma_wait3A_28 = arith.constant 0 : i32
        %dma_wait3A_29 = tpu.memref_slice %arg10[%dma_wait3A_27, %dma_wait3A_28] : memref<10112x16xf32, #tpu.memory_space<vmem_shared>> -> memref<10112x16xf32, #tpu.memory_space<vmem_shared>>
        tpu.wait_indirect_dma semaphore(%run_scoped3A_19 : memref<!tpu.dma_semaphore, #tpu.memory_space<semaphore_mem>>) src(%arg7 : memref<128x16xf32, #tpu.memory_space<vmem>>) dst(%dma_wait3A_29 : memref<10112x16xf32, #tpu.memory_space<vmem_shared>>)
        tpu.yield
      }) : () -> ()
    }
    %scan3A_7 = arith.constant 80 : i32
    %barrier3A_8 = arith.constant 0 : index
    tpu.barrier barrier_id(%barrier3A_8)
    %mul3A_9 = arith.constant 632 : i32
    %mul3A_10 = arith.muli %arg1, %mul3A_9 : i32
    "tpu.region"() ({
      %run_scoped3A = tpu.sem_alloc : memref<!tpu.dma_semaphore, #tpu.memory_space<semaphore_mem>>
      %dma_start3A = arith.constant 0 : i32
      %dma_start3A_18 = tpu.memref_slice %arg10[%mul3A_10, %dma_start3A] : memref<10112x16xf32, #tpu.memory_space<vmem_shared>> -> memref<632x16xf32, #tpu.memory_space<vmem_shared>>
      %dma_start3A_19 = arith.constant 0 : i32
      %dma_start3A_20 = tpu.memref_slice %arg10[%mul3A_10, %dma_start3A_19] : memref<10112x16xf32, #tpu.memory_space<vmem_shared>> -> memref<632x16xf32, #tpu.memory_space<vmem_shared>>
      tpu.enqueue_dma source(%dma_start3A_20 : memref<632x16xf32, #tpu.memory_space<vmem_shared>>) target(%arg8 : memref<632x16xf32, #tpu.memory_space<vmem>>) target_semaphore(%run_scoped3A : memref<!tpu.dma_semaphore, #tpu.memory_space<semaphore_mem>>)
      %dma_wait3A = arith.constant 0 : i32
      %dma_wait3A_21 = tpu.memref_slice %arg10[%mul3A_10, %dma_wait3A] : memref<10112x16xf32, #tpu.memory_space<vmem_shared>> -> memref<632x16xf32, #tpu.memory_space<vmem_shared>>
      %dma_wait3A_22 = arith.constant 0 : i32
      %dma_wait3A_23 = tpu.memref_slice %arg10[%mul3A_10, %dma_wait3A_22] : memref<10112x16xf32, #tpu.memory_space<vmem_shared>> -> memref<632x16xf32, #tpu.memory_space<vmem_shared>>
      tpu.wait_dma2 semaphore(%run_scoped3A : memref<!tpu.dma_semaphore, #tpu.memory_space<semaphore_mem>>) src(%dma_wait3A_23 : memref<632x16xf32, #tpu.memory_space<vmem_shared>>) dst(%arg8 : memref<632x16xf32, #tpu.memory_space<vmem>>)
      tpu.yield
    }) : () -> ()
    %iota3A = tpu.iota {dimensions = array<i32: 0>} : vector<16xi32>
    %broadcast_in_dim3A = arith.constant 0 : i32
    %broadcast_in_dim3A_11 = vector.broadcast %broadcast_in_dim3A : i32 to vector<16xi32>
    %scan3A_12 = arith.constant 0 : i32
    %scan3A_13 = arith.constant 0 : i32
    %scan3A_14 = arith.constant 39 : i32
    %scan3A_15 = arith.addi %scan3A_13, %scan3A_14 : i32
    %scan3A_16 = arith.constant 1 : i32
    scf.for %scan3A_18 = %scan3A_13 to %scan3A_15 step %scan3A_16  : i32 {
      %mul3A_19 = arith.constant 16 : i32
      %mul3A_20 = arith.muli %scan3A_18, %mul3A_19 : i32
      %add3A = vector.broadcast %mul3A_20 : i32 to vector<16xi32>
      %add3A_21 = arith.addi %iota3A, %add3A : vector<16xi32>
      %gather3A = tpu.vector_load_idx %arg8[%add3A_21, %broadcast_in_dim3A_11] : memref<632x16xf32, #tpu.memory_space<vmem>>[vector<16xi32>, vector<16xi32>], vector<16xf32>,
      %mul3A_22 = arith.constant 16 : i32
      %mul3A_23 = arith.muli %scan3A_18, %mul3A_22 : i32
      %swap3A = arith.index_cast %mul3A_23 : i32 to index
      %swap3A_24 = tpu.vector_load %arg9[%swap3A] {strides = array<i32>} : memref<632xf32, #tpu.memory_space<vmem>>, vector<16xf32>,
      tpu.vector_store %arg9[%swap3A], %gather3A {strides = array<i32>} : memref<632xf32, #tpu.memory_space<vmem>>, vector<16xf32>,
    }
    %scan3A_17 = arith.constant 39 : i32
    "tpu.region"() ({
      %run_scoped3A = tpu.sem_alloc : memref<!tpu.dma_semaphore, #tpu.memory_space<semaphore_mem>>
      %dma_start3A = arith.constant 0 : i32
      %dma_start3A_18 = tpu.memref_slice %arg5[%arg0, %arg1, %dma_start3A] : memref<2x16x632xf32, #tpu.memory_space<hbm>> -> memref<1x1x632xf32, #tpu.memory_space<hbm>>
      %dma_start3A_19 = tpu.memref_squeeze %dma_start3A_18 : memref<1x1x632xf32, #tpu.memory_space<hbm>> -> memref<632xf32, #tpu.memory_space<hbm>>
      %dma_start3A_20 = arith.constant 0 : i32
      %dma_start3A_21 = tpu.memref_slice %arg5[%arg0, %arg1, %dma_start3A_20] : memref<2x16x632xf32, #tpu.memory_space<hbm>> -> memref<1x1x632xf32, #tpu.memory_space<hbm>>
      %dma_start3A_22 = tpu.memref_squeeze %dma_start3A_21 : memref<1x1x632xf32, #tpu.memory_space<hbm>> -> memref<632xf32, #tpu.memory_space<hbm>>
      tpu.enqueue_dma source(%arg9 : memref<632xf32, #tpu.memory_space<vmem>>) target(%dma_start3A_22 : memref<632xf32, #tpu.memory_space<hbm>>) target_semaphore(%run_scoped3A : memref<!tpu.dma_semaphore, #tpu.memory_space<semaphore_mem>>)
      %dma_wait3A = arith.constant 0 : i32
      %dma_wait3A_23 = tpu.memref_slice %arg5[%arg0, %arg1, %dma_wait3A] : memref<2x16x632xf32, #tpu.memory_space<hbm>> -> memref<1x1x632xf32, #tpu.memory_space<hbm>>
      %dma_wait3A_24 = tpu.memref_squeeze %dma_wait3A_23 : memref<1x1x632xf32, #tpu.memory_space<hbm>> -> memref<632xf32, #tpu.memory_space<hbm>>
      %dma_wait3A_25 = arith.constant 0 : i32
      %dma_wait3A_26 = tpu.memref_slice %arg5[%arg0, %arg1, %dma_wait3A_25] : memref<2x16x632xf32, #tpu.memory_space<hbm>> -> memref<1x1x632xf32, #tpu.memory_space<hbm>>
      %dma_wait3A_27 = tpu.memref_squeeze %dma_wait3A_26 : memref<1x1x632xf32, #tpu.memory_space<hbm>> -> memref<632xf32, #tpu.memory_space<hbm>>
      tpu.wait_dma2 semaphore(%run_scoped3A : memref<!tpu.dma_semaphore, #tpu.memory_space<semaphore_mem>>) src(%arg9 : memref<632xf32, #tpu.memory_space<vmem>>) dst(%dma_wait3A_27 : memref<632xf32, #tpu.memory_space<hbm>>)
      tpu.yield
    }) : () -> ()
    return
  }
}

#map = affine_map<(d0, d1) -> (0, 0, 0)>
#map1 = affine_map<(d0, d1) -> (0, 0, 0, 0)>
#map2 = affine_map<(d0, d1) -> (0, 0)>
module attributes {stable_mosaic.version = 14 : i64} {
  func.func @_edge_body(%arg0: i32, %arg1: i32, %arg2: memref<2x10112x64xf32, #tpu.memory_space<hbm>>, %arg3: memref<16x160x2x128xi32, #tpu.memory_space<hbm>>, %arg4: memref<632x64xf32, #tpu.memory_space<hbm>>, %arg5: memref<2x10112x64xf32, #tpu.memory_space<hbm>>, %arg6: memref<160x2x128xi32, #tpu.memory_space<vmem>>, %arg7: memref<4x128x64xf32, #tpu.memory_space<vmem>>, %arg8: memref<10112x64xf32, #tpu.memory_space<vmem_shared>>, %arg9: memref<!tpu.dma_semaphore, #tpu.memory_space<semaphore_mem>>, %arg10: memref<!tpu.dma_semaphore, #tpu.memory_space<semaphore_mem>>, %arg11: memref<!tpu.dma_semaphore, #tpu.memory_space<semaphore_mem>>, %arg12: memref<!tpu.dma_semaphore, #tpu.memory_space<semaphore_mem>>) attributes {dimension_semantics = [#tpu.dimension_semantics<core_parallel>, #tpu.dimension_semantics<subcore_parallel>], iteration_bounds = array<i64: 2, 16>, scalar_prefetch = 0 : i64, scratch_operands = 7 : i64, tpu.core_type = #tpu.core_type<sc_vector_subcore>, window_params = [{transform_indices = #map}, {transform_indices = #map1}, {transform_indices = #map2}, {transform_indices = #map}]} {
    %mul3A = arith.constant 632 : i32
    %mul3A_0 = arith.muli %arg1, %mul3A : i32
    "tpu.region"() ({
      %run_scoped3A = tpu.sem_alloc : memref<!tpu.dma_semaphore, #tpu.memory_space<semaphore_mem>>
      %dma_start3A_78 = arith.constant 0 : i32
      %dma_start3A_79 = tpu.memref_slice %arg8[%mul3A_0, %dma_start3A_78] : memref<10112x64xf32, #tpu.memory_space<vmem_shared>> -> memref<632x64xf32, #tpu.memory_space<vmem_shared>>
      tpu.enqueue_dma source(%arg4 : memref<632x64xf32, #tpu.memory_space<hbm>>) target(%dma_start3A_79 : memref<632x64xf32, #tpu.memory_space<vmem_shared>>) target_semaphore(%run_scoped3A : memref<!tpu.dma_semaphore, #tpu.memory_space<semaphore_mem>>)
      %dma_wait3A = arith.constant 0 : i32
      %dma_wait3A_80 = tpu.memref_slice %arg8[%mul3A_0, %dma_wait3A] : memref<10112x64xf32, #tpu.memory_space<vmem_shared>> -> memref<632x64xf32, #tpu.memory_space<vmem_shared>>
      tpu.wait_dma2 semaphore(%run_scoped3A : memref<!tpu.dma_semaphore, #tpu.memory_space<semaphore_mem>>) src(%arg4 : memref<632x64xf32, #tpu.memory_space<hbm>>) dst(%dma_wait3A_80 : memref<632x64xf32, #tpu.memory_space<vmem_shared>>)
      tpu.yield
    }) : () -> ()
    "tpu.region"() ({
      %run_scoped3A = tpu.sem_alloc : memref<!tpu.dma_semaphore, #tpu.memory_space<semaphore_mem>>
      %dma_start3A_78 = arith.constant 0 : i32
      %dma_start3A_79 = arith.constant 0 : i32
      %dma_start3A_80 = arith.constant 0 : i32
      %dma_start3A_81 = tpu.memref_slice %arg3[%arg1, %dma_start3A_78, %dma_start3A_79, %dma_start3A_80] : memref<16x160x2x128xi32, #tpu.memory_space<hbm>> -> memref<1x160x2x128xi32, #tpu.memory_space<hbm>>
      %dma_start3A_82 = tpu.memref_squeeze %dma_start3A_81 : memref<1x160x2x128xi32, #tpu.memory_space<hbm>> -> memref<160x2x128xi32, #tpu.memory_space<hbm>>
      %dma_start3A_83 = arith.constant 0 : i32
      %dma_start3A_84 = arith.constant 0 : i32
      %dma_start3A_85 = arith.constant 0 : i32
      %dma_start3A_86 = tpu.memref_slice %arg3[%arg1, %dma_start3A_83, %dma_start3A_84, %dma_start3A_85] : memref<16x160x2x128xi32, #tpu.memory_space<hbm>> -> memref<1x160x2x128xi32, #tpu.memory_space<hbm>>
      %dma_start3A_87 = tpu.memref_squeeze %dma_start3A_86 : memref<1x160x2x128xi32, #tpu.memory_space<hbm>> -> memref<160x2x128xi32, #tpu.memory_space<hbm>>
      tpu.enqueue_dma source(%dma_start3A_87 : memref<160x2x128xi32, #tpu.memory_space<hbm>>) target(%arg6 : memref<160x2x128xi32, #tpu.memory_space<vmem>>) target_semaphore(%run_scoped3A : memref<!tpu.dma_semaphore, #tpu.memory_space<semaphore_mem>>)
      %dma_wait3A = arith.constant 0 : i32
      %dma_wait3A_88 = arith.constant 0 : i32
      %dma_wait3A_89 = arith.constant 0 : i32
      %dma_wait3A_90 = tpu.memref_slice %arg3[%arg1, %dma_wait3A, %dma_wait3A_88, %dma_wait3A_89] : memref<16x160x2x128xi32, #tpu.memory_space<hbm>> -> memref<1x160x2x128xi32, #tpu.memory_space<hbm>>
      %dma_wait3A_91 = tpu.memref_squeeze %dma_wait3A_90 : memref<1x160x2x128xi32, #tpu.memory_space<hbm>> -> memref<160x2x128xi32, #tpu.memory_space<hbm>>
      %dma_wait3A_92 = arith.constant 0 : i32
      %dma_wait3A_93 = arith.constant 0 : i32
      %dma_wait3A_94 = arith.constant 0 : i32
      %dma_wait3A_95 = tpu.memref_slice %arg3[%arg1, %dma_wait3A_92, %dma_wait3A_93, %dma_wait3A_94] : memref<16x160x2x128xi32, #tpu.memory_space<hbm>> -> memref<1x160x2x128xi32, #tpu.memory_space<hbm>>
      %dma_wait3A_96 = tpu.memref_squeeze %dma_wait3A_95 : memref<1x160x2x128xi32, #tpu.memory_space<hbm>> -> memref<160x2x128xi32, #tpu.memory_space<hbm>>
      tpu.wait_dma2 semaphore(%run_scoped3A : memref<!tpu.dma_semaphore, #tpu.memory_space<semaphore_mem>>) src(%dma_wait3A_96 : memref<160x2x128xi32, #tpu.memory_space<hbm>>) dst(%arg6 : memref<160x2x128xi32, #tpu.memory_space<vmem>>)
      tpu.yield
    }) : () -> ()
    %barrier3A = arith.constant 0 : index
    tpu.barrier barrier_id(%barrier3A)
    %dma_start3A = arith.constant 0 : i32
    %dma_start3A_1 = arith.constant 0 : i32
    %dma_start3A_2 = arith.constant 0 : i32
    %dma_start3A_3 = arith.constant 0 : i32
    %dma_start3A_4 = arith.constant 0 : i32
    %dma_start3A_5 = tpu.memref_slice %arg7[%dma_start3A_2, %dma_start3A_3, %dma_start3A_4] : memref<4x128x64xf32, #tpu.memory_space<vmem>> -> memref<1x128x64xf32, #tpu.memory_space<vmem>>
    %dma_start3A_6 = tpu.memref_squeeze %dma_start3A_5 : memref<1x128x64xf32, #tpu.memory_space<vmem>> -> memref<128x64xf32, #tpu.memory_space<vmem>>
    %dma_start3A_7 = arith.constant 0 : i32
    %dma_start3A_8 = tpu.memref_slice %arg6[%dma_start3A, %dma_start3A_1, %dma_start3A_7] : memref<160x2x128xi32, #tpu.memory_space<vmem>> -> memref<1x1x128xi32, #tpu.memory_space<vmem>>
    %dma_start3A_9 = tpu.memref_squeeze %dma_start3A_8 : memref<1x1x128xi32, #tpu.memory_space<vmem>> -> memref<128xi32, #tpu.memory_space<vmem>>
    %dma_start3A_10 = arith.constant 0 : i32
    %dma_start3A_11 = arith.constant 0 : i32
    %dma_start3A_12 = tpu.memref_slice %arg2[%arg0, %dma_start3A_10, %dma_start3A_11] : memref<2x10112x64xf32, #tpu.memory_space<hbm>> -> memref<1x10112x64xf32, #tpu.memory_space<hbm>>
    %dma_start3A_13 = tpu.memref_squeeze %dma_start3A_12 : memref<1x10112x64xf32, #tpu.memory_space<hbm>> -> memref<10112x64xf32, #tpu.memory_space<hbm>>
    %dma_start3A_14 = arith.constant 0 : i32
    %dma_start3A_15 = arith.constant 0 : i32
    %dma_start3A_16 = tpu.memref_slice %dma_start3A_13[%dma_start3A_14, %dma_start3A_15] : memref<10112x64xf32, #tpu.memory_space<hbm>> -> memref<10112x64xf32, #tpu.memory_space<hbm>>
    tpu.enqueue_indirect_dma source(%dma_start3A_16 : memref<10112x64xf32, #tpu.memory_space<hbm>>) target(%dma_start3A_6 : memref<128x64xf32, #tpu.memory_space<vmem>>) offsets(%dma_start3A_9 : memref<128xi32, #tpu.memory_space<vmem>>) semaphore(%arg9 : memref<!tpu.dma_semaphore, #tpu.memory_space<semaphore_mem>>)
    %dma_start3A_17 = arith.constant 1 : i32
    %dma_start3A_18 = arith.constant 0 : i32
    %dma_start3A_19 = arith.constant 1 : i32
    %dma_start3A_20 = arith.constant 0 : i32
    %dma_start3A_21 = arith.constant 0 : i32
    %dma_start3A_22 = tpu.memref_slice %arg7[%dma_start3A_19, %dma_start3A_20, %dma_start3A_21] : memref<4x128x64xf32, #tpu.memory_space<vmem>> -> memref<1x128x64xf32, #tpu.memory_space<vmem>>
    %dma_start3A_23 = tpu.memref_squeeze %dma_start3A_22 : memref<1x128x64xf32, #tpu.memory_space<vmem>> -> memref<128x64xf32, #tpu.memory_space<vmem>>
    %dma_start3A_24 = arith.constant 0 : i32
    %dma_start3A_25 = tpu.memref_slice %arg6[%dma_start3A_17, %dma_start3A_18, %dma_start3A_24] : memref<160x2x128xi32, #tpu.memory_space<vmem>> -> memref<1x1x128xi32, #tpu.memory_space<vmem>>
    %dma_start3A_26 = tpu.memref_squeeze %dma_start3A_25 : memref<1x1x128xi32, #tpu.memory_space<vmem>> -> memref<128xi32, #tpu.memory_space<vmem>>
    %dma_start3A_27 = arith.constant 0 : i32
    %dma_start3A_28 = arith.constant 0 : i32
    %dma_start3A_29 = tpu.memref_slice %arg2[%arg0, %dma_start3A_27, %dma_start3A_28] : memref<2x10112x64xf32, #tpu.memory_space<hbm>> -> memref<1x10112x64xf32, #tpu.memory_space<hbm>>
    %dma_start3A_30 = tpu.memref_squeeze %dma_start3A_29 : memref<1x10112x64xf32, #tpu.memory_space<hbm>> -> memref<10112x64xf32, #tpu.memory_space<hbm>>
    %dma_start3A_31 = arith.constant 0 : i32
    %dma_start3A_32 = arith.constant 0 : i32
    %dma_start3A_33 = tpu.memref_slice %dma_start3A_30[%dma_start3A_31, %dma_start3A_32] : memref<10112x64xf32, #tpu.memory_space<hbm>> -> memref<10112x64xf32, #tpu.memory_space<hbm>>
    tpu.enqueue_indirect_dma source(%dma_start3A_33 : memref<10112x64xf32, #tpu.memory_space<hbm>>) target(%dma_start3A_23 : memref<128x64xf32, #tpu.memory_space<vmem>>) offsets(%dma_start3A_26 : memref<128xi32, #tpu.memory_space<vmem>>) semaphore(%arg10 : memref<!tpu.dma_semaphore, #tpu.memory_space<semaphore_mem>>)
    %dma_start3A_34 = arith.constant 2 : i32
    %dma_start3A_35 = arith.constant 0 : i32
    %dma_start3A_36 = arith.constant 2 : i32
    %dma_start3A_37 = arith.constant 0 : i32
    %dma_start3A_38 = arith.constant 0 : i32
    %dma_start3A_39 = tpu.memref_slice %arg7[%dma_start3A_36, %dma_start3A_37, %dma_start3A_38] : memref<4x128x64xf32, #tpu.memory_space<vmem>> -> memref<1x128x64xf32, #tpu.memory_space<vmem>>
    %dma_start3A_40 = tpu.memref_squeeze %dma_start3A_39 : memref<1x128x64xf32, #tpu.memory_space<vmem>> -> memref<128x64xf32, #tpu.memory_space<vmem>>
    %dma_start3A_41 = arith.constant 0 : i32
    %dma_start3A_42 = tpu.memref_slice %arg6[%dma_start3A_34, %dma_start3A_35, %dma_start3A_41] : memref<160x2x128xi32, #tpu.memory_space<vmem>> -> memref<1x1x128xi32, #tpu.memory_space<vmem>>
    %dma_start3A_43 = tpu.memref_squeeze %dma_start3A_42 : memref<1x1x128xi32, #tpu.memory_space<vmem>> -> memref<128xi32, #tpu.memory_space<vmem>>
    %dma_start3A_44 = arith.constant 0 : i32
    %dma_start3A_45 = arith.constant 0 : i32
    %dma_start3A_46 = tpu.memref_slice %arg2[%arg0, %dma_start3A_44, %dma_start3A_45] : memref<2x10112x64xf32, #tpu.memory_space<hbm>> -> memref<1x10112x64xf32, #tpu.memory_space<hbm>>
    %dma_start3A_47 = tpu.memref_squeeze %dma_start3A_46 : memref<1x10112x64xf32, #tpu.memory_space<hbm>> -> memref<10112x64xf32, #tpu.memory_space<hbm>>
    %dma_start3A_48 = arith.constant 0 : i32
    %dma_start3A_49 = arith.constant 0 : i32
    %dma_start3A_50 = tpu.memref_slice %dma_start3A_47[%dma_start3A_48, %dma_start3A_49] : memref<10112x64xf32, #tpu.memory_space<hbm>> -> memref<10112x64xf32, #tpu.memory_space<hbm>>
    tpu.enqueue_indirect_dma source(%dma_start3A_50 : memref<10112x64xf32, #tpu.memory_space<hbm>>) target(%dma_start3A_40 : memref<128x64xf32, #tpu.memory_space<vmem>>) offsets(%dma_start3A_43 : memref<128xi32, #tpu.memory_space<vmem>>) semaphore(%arg11 : memref<!tpu.dma_semaphore, #tpu.memory_space<semaphore_mem>>)
    %dma_start3A_51 = arith.constant 3 : i32
    %dma_start3A_52 = arith.constant 0 : i32
    %dma_start3A_53 = arith.constant 3 : i32
    %dma_start3A_54 = arith.constant 0 : i32
    %dma_start3A_55 = arith.constant 0 : i32
    %dma_start3A_56 = tpu.memref_slice %arg7[%dma_start3A_53, %dma_start3A_54, %dma_start3A_55] : memref<4x128x64xf32, #tpu.memory_space<vmem>> -> memref<1x128x64xf32, #tpu.memory_space<vmem>>
    %dma_start3A_57 = tpu.memref_squeeze %dma_start3A_56 : memref<1x128x64xf32, #tpu.memory_space<vmem>> -> memref<128x64xf32, #tpu.memory_space<vmem>>
    %dma_start3A_58 = arith.constant 0 : i32
    %dma_start3A_59 = tpu.memref_slice %arg6[%dma_start3A_51, %dma_start3A_52, %dma_start3A_58] : memref<160x2x128xi32, #tpu.memory_space<vmem>> -> memref<1x1x128xi32, #tpu.memory_space<vmem>>
    %dma_start3A_60 = tpu.memref_squeeze %dma_start3A_59 : memref<1x1x128xi32, #tpu.memory_space<vmem>> -> memref<128xi32, #tpu.memory_space<vmem>>
    %dma_start3A_61 = arith.constant 0 : i32
    %dma_start3A_62 = arith.constant 0 : i32
    %dma_start3A_63 = tpu.memref_slice %arg2[%arg0, %dma_start3A_61, %dma_start3A_62] : memref<2x10112x64xf32, #tpu.memory_space<hbm>> -> memref<1x10112x64xf32, #tpu.memory_space<hbm>>
    %dma_start3A_64 = tpu.memref_squeeze %dma_start3A_63 : memref<1x10112x64xf32, #tpu.memory_space<hbm>> -> memref<10112x64xf32, #tpu.memory_space<hbm>>
    %dma_start3A_65 = arith.constant 0 : i32
    %dma_start3A_66 = arith.constant 0 : i32
    %dma_start3A_67 = tpu.memref_slice %dma_start3A_64[%dma_start3A_65, %dma_start3A_66] : memref<10112x64xf32, #tpu.memory_space<hbm>> -> memref<10112x64xf32, #tpu.memory_space<hbm>>
    tpu.enqueue_indirect_dma source(%dma_start3A_67 : memref<10112x64xf32, #tpu.memory_space<hbm>>) target(%dma_start3A_57 : memref<128x64xf32, #tpu.memory_space<vmem>>) offsets(%dma_start3A_60 : memref<128xi32, #tpu.memory_space<vmem>>) semaphore(%arg12 : memref<!tpu.dma_semaphore, #tpu.memory_space<semaphore_mem>>)
    %scan3A = arith.constant 0 : i32
    %scan3A_68 = arith.constant 0 : i32
    %scan3A_69 = arith.constant 40 : i32
    %scan3A_70 = arith.addi %scan3A_68, %scan3A_69 : i32
    %scan3A_71 = arith.constant 1 : i32
    scf.for %scan3A_78 = %scan3A_68 to %scan3A_70 step %scan3A_71  : i32 {
      %mul3A_79 = arith.constant 4 : i32
      %mul3A_80 = arith.muli %scan3A_78, %mul3A_79 : i32
      %add3A = arith.constant 0 : i32
      %add3A_81 = arith.addi %mul3A_80, %add3A : i32
      %dma_wait3A = arith.constant 0 : i32
      %dma_wait3A_82 = arith.constant 0 : i32
      %dma_wait3A_83 = arith.constant 0 : i32
      %dma_wait3A_84 = arith.constant 0 : i32
      %dma_wait3A_85 = tpu.memref_slice %arg7[%dma_wait3A_82, %dma_wait3A_83, %dma_wait3A_84] : memref<4x128x64xf32, #tpu.memory_space<vmem>> -> memref<1x128x64xf32, #tpu.memory_space<vmem>>
      %dma_wait3A_86 = tpu.memref_squeeze %dma_wait3A_85 : memref<1x128x64xf32, #tpu.memory_space<vmem>> -> memref<128x64xf32, #tpu.memory_space<vmem>>
      %dma_wait3A_87 = arith.constant 0 : i32
      %dma_wait3A_88 = tpu.memref_slice %arg6[%add3A_81, %dma_wait3A, %dma_wait3A_87] : memref<160x2x128xi32, #tpu.memory_space<vmem>> -> memref<1x1x128xi32, #tpu.memory_space<vmem>>
      %dma_wait3A_89 = tpu.memref_squeeze %dma_wait3A_88 : memref<1x1x128xi32, #tpu.memory_space<vmem>> -> memref<128xi32, #tpu.memory_space<vmem>>
      %dma_wait3A_90 = arith.constant 0 : i32
      %dma_wait3A_91 = arith.constant 0 : i32
      %dma_wait3A_92 = tpu.memref_slice %arg2[%arg0, %dma_wait3A_90, %dma_wait3A_91] : memref<2x10112x64xf32, #tpu.memory_space<hbm>> -> memref<1x10112x64xf32, #tpu.memory_space<hbm>>
      %dma_wait3A_93 = tpu.memref_squeeze %dma_wait3A_92 : memref<1x10112x64xf32, #tpu.memory_space<hbm>> -> memref<10112x64xf32, #tpu.memory_space<hbm>>
      %dma_wait3A_94 = arith.constant 0 : i32
      %dma_wait3A_95 = arith.constant 0 : i32
      %dma_wait3A_96 = tpu.memref_slice %dma_wait3A_93[%dma_wait3A_94, %dma_wait3A_95] : memref<10112x64xf32, #tpu.memory_space<hbm>> -> memref<10112x64xf32, #tpu.memory_space<hbm>>
      tpu.wait_indirect_dma semaphore(%arg9 : memref<!tpu.dma_semaphore, #tpu.memory_space<semaphore_mem>>) src(%dma_wait3A_96 : memref<10112x64xf32, #tpu.memory_space<hbm>>) dst(%dma_wait3A_86 : memref<128x64xf32, #tpu.memory_space<vmem>>)
      %run_scoped3A = arith.constant 0 : i32
      %run_scoped3A_97 = arith.constant 1 : i32
      "tpu.region"() ({
        %run_scoped3A_183 = tpu.sem_alloc : memref<!tpu.dma_semaphore, #tpu.memory_space<semaphore_mem>>
        %dma_start3A_184 = arith.constant 0 : i32
        %dma_start3A_185 = arith.constant 0 : i32
        %dma_start3A_186 = tpu.memref_slice %arg7[%run_scoped3A, %dma_start3A_184, %dma_start3A_185] : memref<4x128x64xf32, #tpu.memory_space<vmem>> -> memref<1x128x64xf32, #tpu.memory_space<vmem>>
        %dma_start3A_187 = tpu.memref_squeeze %dma_start3A_186 : memref<1x128x64xf32, #tpu.memory_space<vmem>> -> memref<128x64xf32, #tpu.memory_space<vmem>>
        %dma_start3A_188 = arith.constant 0 : i32
        %dma_start3A_189 = tpu.memref_slice %arg6[%add3A_81, %run_scoped3A_97, %dma_start3A_188] : memref<160x2x128xi32, #tpu.memory_space<vmem>> -> memref<1x1x128xi32, #tpu.memory_space<vmem>>
        %dma_start3A_190 = tpu.memref_squeeze %dma_start3A_189 : memref<1x1x128xi32, #tpu.memory_space<vmem>> -> memref<128xi32, #tpu.memory_space<vmem>>
        %dma_start3A_191 = arith.constant 0 : i32
        %dma_start3A_192 = arith.constant 0 : i32
        %dma_start3A_193 = tpu.memref_slice %arg8[%dma_start3A_191, %dma_start3A_192] : memref<10112x64xf32, #tpu.memory_space<vmem_shared>> -> memref<10112x64xf32, #tpu.memory_space<vmem_shared>>
        tpu.enqueue_indirect_dma source(%dma_start3A_187 : memref<128x64xf32, #tpu.memory_space<vmem>>) target(%dma_start3A_193 : memref<10112x64xf32, #tpu.memory_space<vmem_shared>>) offsets(%dma_start3A_190 : memref<128xi32, #tpu.memory_space<vmem>>) semaphore(%run_scoped3A_183 : memref<!tpu.dma_semaphore, #tpu.memory_space<semaphore_mem>>) {add = true}
        %dma_wait3A_194 = arith.constant 0 : i32
        %dma_wait3A_195 = arith.constant 0 : i32
        %dma_wait3A_196 = tpu.memref_slice %arg7[%run_scoped3A, %dma_wait3A_194, %dma_wait3A_195] : memref<4x128x64xf32, #tpu.memory_space<vmem>> -> memref<1x128x64xf32, #tpu.memory_space<vmem>>
        %dma_wait3A_197 = tpu.memref_squeeze %dma_wait3A_196 : memref<1x128x64xf32, #tpu.memory_space<vmem>> -> memref<128x64xf32, #tpu.memory_space<vmem>>
        %dma_wait3A_198 = arith.constant 0 : i32
        %dma_wait3A_199 = tpu.memref_slice %arg6[%add3A_81, %run_scoped3A_97, %dma_wait3A_198] : memref<160x2x128xi32, #tpu.memory_space<vmem>> -> memref<1x1x128xi32, #tpu.memory_space<vmem>>
        %dma_wait3A_200 = tpu.memref_squeeze %dma_wait3A_199 : memref<1x1x128xi32, #tpu.memory_space<vmem>> -> memref<128xi32, #tpu.memory_space<vmem>>
        %dma_wait3A_201 = arith.constant 0 : i32
        %dma_wait3A_202 = arith.constant 0 : i32
        %dma_wait3A_203 = tpu.memref_slice %arg8[%dma_wait3A_201, %dma_wait3A_202] : memref<10112x64xf32, #tpu.memory_space<vmem_shared>> -> memref<10112x64xf32, #tpu.memory_space<vmem_shared>>
        tpu.wait_indirect_dma semaphore(%run_scoped3A_183 : memref<!tpu.dma_semaphore, #tpu.memory_space<semaphore_mem>>) src(%dma_wait3A_197 : memref<128x64xf32, #tpu.memory_space<vmem>>) dst(%dma_wait3A_203 : memref<10112x64xf32, #tpu.memory_space<vmem_shared>>)
        tpu.yield
      }) : () -> ()
      %add3A_98 = arith.constant 4 : i32
      %add3A_99 = arith.addi %add3A_81, %add3A_98 : i32
      %lt3A = arith.constant 160 : i32
      %lt3A_100 = arith.cmpi slt, %add3A_99, %lt3A : i32
      %convert_element_type3A = arith.extui %lt3A_100 : i1 to i32
      %cond3A = arith.constant 0 : i32
      %cond3A_101 = arith.cmpi ne, %convert_element_type3A, %cond3A : i32
      scf.if %cond3A_101 {
        %add3A_183 = arith.constant 4 : i32
        %add3A_184 = arith.addi %add3A_81, %add3A_183 : i32
        %dma_start3A_185 = arith.constant 0 : i32
        %dma_start3A_186 = arith.constant 0 : i32
        %dma_start3A_187 = arith.constant 0 : i32
        %dma_start3A_188 = arith.constant 0 : i32
        %dma_start3A_189 = tpu.memref_slice %arg7[%dma_start3A_186, %dma_start3A_187, %dma_start3A_188] : memref<4x128x64xf32, #tpu.memory_space<vmem>> -> memref<1x128x64xf32, #tpu.memory_space<vmem>>
        %dma_start3A_190 = tpu.memref_squeeze %dma_start3A_189 : memref<1x128x64xf32, #tpu.memory_space<vmem>> -> memref<128x64xf32, #tpu.memory_space<vmem>>
        %dma_start3A_191 = arith.constant 0 : i32
        %dma_start3A_192 = tpu.memref_slice %arg6[%add3A_184, %dma_start3A_185, %dma_start3A_191] : memref<160x2x128xi32, #tpu.memory_space<vmem>> -> memref<1x1x128xi32, #tpu.memory_space<vmem>>
        %dma_start3A_193 = tpu.memref_squeeze %dma_start3A_192 : memref<1x1x128xi32, #tpu.memory_space<vmem>> -> memref<128xi32, #tpu.memory_space<vmem>>
        %dma_start3A_194 = arith.constant 0 : i32
        %dma_start3A_195 = arith.constant 0 : i32
        %dma_start3A_196 = tpu.memref_slice %arg2[%arg0, %dma_start3A_194, %dma_start3A_195] : memref<2x10112x64xf32, #tpu.memory_space<hbm>> -> memref<1x10112x64xf32, #tpu.memory_space<hbm>>
        %dma_start3A_197 = tpu.memref_squeeze %dma_start3A_196 : memref<1x10112x64xf32, #tpu.memory_space<hbm>> -> memref<10112x64xf32, #tpu.memory_space<hbm>>
        %dma_start3A_198 = arith.constant 0 : i32
        %dma_start3A_199 = arith.constant 0 : i32
        %dma_start3A_200 = tpu.memref_slice %dma_start3A_197[%dma_start3A_198, %dma_start3A_199] : memref<10112x64xf32, #tpu.memory_space<hbm>> -> memref<10112x64xf32, #tpu.memory_space<hbm>>
        tpu.enqueue_indirect_dma source(%dma_start3A_200 : memref<10112x64xf32, #tpu.memory_space<hbm>>) target(%dma_start3A_190 : memref<128x64xf32, #tpu.memory_space<vmem>>) offsets(%dma_start3A_193 : memref<128xi32, #tpu.memory_space<vmem>>) semaphore(%arg9 : memref<!tpu.dma_semaphore, #tpu.memory_space<semaphore_mem>>)
      } else {
      }
      %add3A_102 = arith.constant 1 : i32
      %add3A_103 = arith.addi %mul3A_80, %add3A_102 : i32
      %dma_wait3A_104 = arith.constant 0 : i32
      %dma_wait3A_105 = arith.constant 1 : i32
      %dma_wait3A_106 = arith.constant 0 : i32
      %dma_wait3A_107 = arith.constant 0 : i32
      %dma_wait3A_108 = tpu.memref_slice %arg7[%dma_wait3A_105, %dma_wait3A_106, %dma_wait3A_107] : memref<4x128x64xf32, #tpu.memory_space<vmem>> -> memref<1x128x64xf32, #tpu.memory_space<vmem>>
      %dma_wait3A_109 = tpu.memref_squeeze %dma_wait3A_108 : memref<1x128x64xf32, #tpu.memory_space<vmem>> -> memref<128x64xf32, #tpu.memory_space<vmem>>
      %dma_wait3A_110 = arith.constant 0 : i32
      %dma_wait3A_111 = tpu.memref_slice %arg6[%add3A_103, %dma_wait3A_104, %dma_wait3A_110] : memref<160x2x128xi32, #tpu.memory_space<vmem>> -> memref<1x1x128xi32, #tpu.memory_space<vmem>>
      %dma_wait3A_112 = tpu.memref_squeeze %dma_wait3A_111 : memref<1x1x128xi32, #tpu.memory_space<vmem>> -> memref<128xi32, #tpu.memory_space<vmem>>
      %dma_wait3A_113 = arith.constant 0 : i32
      %dma_wait3A_114 = arith.constant 0 : i32
      %dma_wait3A_115 = tpu.memref_slice %arg2[%arg0, %dma_wait3A_113, %dma_wait3A_114] : memref<2x10112x64xf32, #tpu.memory_space<hbm>> -> memref<1x10112x64xf32, #tpu.memory_space<hbm>>
      %dma_wait3A_116 = tpu.memref_squeeze %dma_wait3A_115 : memref<1x10112x64xf32, #tpu.memory_space<hbm>> -> memref<10112x64xf32, #tpu.memory_space<hbm>>
      %dma_wait3A_117 = arith.constant 0 : i32
      %dma_wait3A_118 = arith.constant 0 : i32
      %dma_wait3A_119 = tpu.memref_slice %dma_wait3A_116[%dma_wait3A_117, %dma_wait3A_118] : memref<10112x64xf32, #tpu.memory_space<hbm>> -> memref<10112x64xf32, #tpu.memory_space<hbm>>
      tpu.wait_indirect_dma semaphore(%arg10 : memref<!tpu.dma_semaphore, #tpu.memory_space<semaphore_mem>>) src(%dma_wait3A_119 : memref<10112x64xf32, #tpu.memory_space<hbm>>) dst(%dma_wait3A_109 : memref<128x64xf32, #tpu.memory_space<vmem>>)
      %run_scoped3A_120 = arith.constant 1 : i32
      %run_scoped3A_121 = arith.constant 1 : i32
      "tpu.region"() ({
        %run_scoped3A_183 = tpu.sem_alloc : memref<!tpu.dma_semaphore, #tpu.memory_space<semaphore_mem>>
        %dma_start3A_184 = arith.constant 0 : i32
        %dma_start3A_185 = arith.constant 0 : i32
        %dma_start3A_186 = tpu.memref_slice %arg7[%run_scoped3A_120, %dma_start3A_184, %dma_start3A_185] : memref<4x128x64xf32, #tpu.memory_space<vmem>> -> memref<1x128x64xf32, #tpu.memory_space<vmem>>
        %dma_start3A_187 = tpu.memref_squeeze %dma_start3A_186 : memref<1x128x64xf32, #tpu.memory_space<vmem>> -> memref<128x64xf32, #tpu.memory_space<vmem>>
        %dma_start3A_188 = arith.constant 0 : i32
        %dma_start3A_189 = tpu.memref_slice %arg6[%add3A_103, %run_scoped3A_121, %dma_start3A_188] : memref<160x2x128xi32, #tpu.memory_space<vmem>> -> memref<1x1x128xi32, #tpu.memory_space<vmem>>
        %dma_start3A_190 = tpu.memref_squeeze %dma_start3A_189 : memref<1x1x128xi32, #tpu.memory_space<vmem>> -> memref<128xi32, #tpu.memory_space<vmem>>
        %dma_start3A_191 = arith.constant 0 : i32
        %dma_start3A_192 = arith.constant 0 : i32
        %dma_start3A_193 = tpu.memref_slice %arg8[%dma_start3A_191, %dma_start3A_192] : memref<10112x64xf32, #tpu.memory_space<vmem_shared>> -> memref<10112x64xf32, #tpu.memory_space<vmem_shared>>
        tpu.enqueue_indirect_dma source(%dma_start3A_187 : memref<128x64xf32, #tpu.memory_space<vmem>>) target(%dma_start3A_193 : memref<10112x64xf32, #tpu.memory_space<vmem_shared>>) offsets(%dma_start3A_190 : memref<128xi32, #tpu.memory_space<vmem>>) semaphore(%run_scoped3A_183 : memref<!tpu.dma_semaphore, #tpu.memory_space<semaphore_mem>>) {add = true}
        %dma_wait3A_194 = arith.constant 0 : i32
        %dma_wait3A_195 = arith.constant 0 : i32
        %dma_wait3A_196 = tpu.memref_slice %arg7[%run_scoped3A_120, %dma_wait3A_194, %dma_wait3A_195] : memref<4x128x64xf32, #tpu.memory_space<vmem>> -> memref<1x128x64xf32, #tpu.memory_space<vmem>>
        %dma_wait3A_197 = tpu.memref_squeeze %dma_wait3A_196 : memref<1x128x64xf32, #tpu.memory_space<vmem>> -> memref<128x64xf32, #tpu.memory_space<vmem>>
        %dma_wait3A_198 = arith.constant 0 : i32
        %dma_wait3A_199 = tpu.memref_slice %arg6[%add3A_103, %run_scoped3A_121, %dma_wait3A_198] : memref<160x2x128xi32, #tpu.memory_space<vmem>> -> memref<1x1x128xi32, #tpu.memory_space<vmem>>
        %dma_wait3A_200 = tpu.memref_squeeze %dma_wait3A_199 : memref<1x1x128xi32, #tpu.memory_space<vmem>> -> memref<128xi32, #tpu.memory_space<vmem>>
        %dma_wait3A_201 = arith.constant 0 : i32
        %dma_wait3A_202 = arith.constant 0 : i32
        %dma_wait3A_203 = tpu.memref_slice %arg8[%dma_wait3A_201, %dma_wait3A_202] : memref<10112x64xf32, #tpu.memory_space<vmem_shared>> -> memref<10112x64xf32, #tpu.memory_space<vmem_shared>>
        tpu.wait_indirect_dma semaphore(%run_scoped3A_183 : memref<!tpu.dma_semaphore, #tpu.memory_space<semaphore_mem>>) src(%dma_wait3A_197 : memref<128x64xf32, #tpu.memory_space<vmem>>) dst(%dma_wait3A_203 : memref<10112x64xf32, #tpu.memory_space<vmem_shared>>)
        tpu.yield
      }) : () -> ()
      %add3A_122 = arith.constant 4 : i32
      %add3A_123 = arith.addi %add3A_103, %add3A_122 : i32
      %lt3A_124 = arith.constant 160 : i32
      %lt3A_125 = arith.cmpi slt, %add3A_123, %lt3A_124 : i32
      %convert_element_type3A_126 = arith.extui %lt3A_125 : i1 to i32
      %cond3A_127 = arith.constant 0 : i32
      %cond3A_128 = arith.cmpi ne, %convert_element_type3A_126, %cond3A_127 : i32
      scf.if %cond3A_128 {
        %add3A_183 = arith.constant 4 : i32
        %add3A_184 = arith.addi %add3A_103, %add3A_183 : i32
        %dma_start3A_185 = arith.constant 0 : i32
        %dma_start3A_186 = arith.constant 1 : i32
        %dma_start3A_187 = arith.constant 0 : i32
        %dma_start3A_188 = arith.constant 0 : i32
        %dma_start3A_189 = tpu.memref_slice %arg7[%dma_start3A_186, %dma_start3A_187, %dma_start3A_188] : memref<4x128x64xf32, #tpu.memory_space<vmem>> -> memref<1x128x64xf32, #tpu.memory_space<vmem>>
        %dma_start3A_190 = tpu.memref_squeeze %dma_start3A_189 : memref<1x128x64xf32, #tpu.memory_space<vmem>> -> memref<128x64xf32, #tpu.memory_space<vmem>>
        %dma_start3A_191 = arith.constant 0 : i32
        %dma_start3A_192 = tpu.memref_slice %arg6[%add3A_184, %dma_start3A_185, %dma_start3A_191] : memref<160x2x128xi32, #tpu.memory_space<vmem>> -> memref<1x1x128xi32, #tpu.memory_space<vmem>>
        %dma_start3A_193 = tpu.memref_squeeze %dma_start3A_192 : memref<1x1x128xi32, #tpu.memory_space<vmem>> -> memref<128xi32, #tpu.memory_space<vmem>>
        %dma_start3A_194 = arith.constant 0 : i32
        %dma_start3A_195 = arith.constant 0 : i32
        %dma_start3A_196 = tpu.memref_slice %arg2[%arg0, %dma_start3A_194, %dma_start3A_195] : memref<2x10112x64xf32, #tpu.memory_space<hbm>> -> memref<1x10112x64xf32, #tpu.memory_space<hbm>>
        %dma_start3A_197 = tpu.memref_squeeze %dma_start3A_196 : memref<1x10112x64xf32, #tpu.memory_space<hbm>> -> memref<10112x64xf32, #tpu.memory_space<hbm>>
        %dma_start3A_198 = arith.constant 0 : i32
        %dma_start3A_199 = arith.constant 0 : i32
        %dma_start3A_200 = tpu.memref_slice %dma_start3A_197[%dma_start3A_198, %dma_start3A_199] : memref<10112x64xf32, #tpu.memory_space<hbm>> -> memref<10112x64xf32, #tpu.memory_space<hbm>>
        tpu.enqueue_indirect_dma source(%dma_start3A_200 : memref<10112x64xf32, #tpu.memory_space<hbm>>) target(%dma_start3A_190 : memref<128x64xf32, #tpu.memory_space<vmem>>) offsets(%dma_start3A_193 : memref<128xi32, #tpu.memory_space<vmem>>) semaphore(%arg10 : memref<!tpu.dma_semaphore, #tpu.memory_space<semaphore_mem>>)
      } else {
      }
      %add3A_129 = arith.constant 2 : i32
      %add3A_130 = arith.addi %mul3A_80, %add3A_129 : i32
      %dma_wait3A_131 = arith.constant 0 : i32
      %dma_wait3A_132 = arith.constant 2 : i32
      %dma_wait3A_133 = arith.constant 0 : i32
      %dma_wait3A_134 = arith.constant 0 : i32
      %dma_wait3A_135 = tpu.memref_slice %arg7[%dma_wait3A_132, %dma_wait3A_133, %dma_wait3A_134] : memref<4x128x64xf32, #tpu.memory_space<vmem>> -> memref<1x128x64xf32, #tpu.memory_space<vmem>>
      %dma_wait3A_136 = tpu.memref_squeeze %dma_wait3A_135 : memref<1x128x64xf32, #tpu.memory_space<vmem>> -> memref<128x64xf32, #tpu.memory_space<vmem>>
      %dma_wait3A_137 = arith.constant 0 : i32
      %dma_wait3A_138 = tpu.memref_slice %arg6[%add3A_130, %dma_wait3A_131, %dma_wait3A_137] : memref<160x2x128xi32, #tpu.memory_space<vmem>> -> memref<1x1x128xi32, #tpu.memory_space<vmem>>
      %dma_wait3A_139 = tpu.memref_squeeze %dma_wait3A_138 : memref<1x1x128xi32, #tpu.memory_space<vmem>> -> memref<128xi32, #tpu.memory_space<vmem>>
      %dma_wait3A_140 = arith.constant 0 : i32
      %dma_wait3A_141 = arith.constant 0 : i32
      %dma_wait3A_142 = tpu.memref_slice %arg2[%arg0, %dma_wait3A_140, %dma_wait3A_141] : memref<2x10112x64xf32, #tpu.memory_space<hbm>> -> memref<1x10112x64xf32, #tpu.memory_space<hbm>>
      %dma_wait3A_143 = tpu.memref_squeeze %dma_wait3A_142 : memref<1x10112x64xf32, #tpu.memory_space<hbm>> -> memref<10112x64xf32, #tpu.memory_space<hbm>>
      %dma_wait3A_144 = arith.constant 0 : i32
      %dma_wait3A_145 = arith.constant 0 : i32
      %dma_wait3A_146 = tpu.memref_slice %dma_wait3A_143[%dma_wait3A_144, %dma_wait3A_145] : memref<10112x64xf32, #tpu.memory_space<hbm>> -> memref<10112x64xf32, #tpu.memory_space<hbm>>
      tpu.wait_indirect_dma semaphore(%arg11 : memref<!tpu.dma_semaphore, #tpu.memory_space<semaphore_mem>>) src(%dma_wait3A_146 : memref<10112x64xf32, #tpu.memory_space<hbm>>) dst(%dma_wait3A_136 : memref<128x64xf32, #tpu.memory_space<vmem>>)
      %run_scoped3A_147 = arith.constant 2 : i32
      %run_scoped3A_148 = arith.constant 1 : i32
      "tpu.region"() ({
        %run_scoped3A_183 = tpu.sem_alloc : memref<!tpu.dma_semaphore, #tpu.memory_space<semaphore_mem>>
        %dma_start3A_184 = arith.constant 0 : i32
        %dma_start3A_185 = arith.constant 0 : i32
        %dma_start3A_186 = tpu.memref_slice %arg7[%run_scoped3A_147, %dma_start3A_184, %dma_start3A_185] : memref<4x128x64xf32, #tpu.memory_space<vmem>> -> memref<1x128x64xf32, #tpu.memory_space<vmem>>
        %dma_start3A_187 = tpu.memref_squeeze %dma_start3A_186 : memref<1x128x64xf32, #tpu.memory_space<vmem>> -> memref<128x64xf32, #tpu.memory_space<vmem>>
        %dma_start3A_188 = arith.constant 0 : i32
        %dma_start3A_189 = tpu.memref_slice %arg6[%add3A_130, %run_scoped3A_148, %dma_start3A_188] : memref<160x2x128xi32, #tpu.memory_space<vmem>> -> memref<1x1x128xi32, #tpu.memory_space<vmem>>
        %dma_start3A_190 = tpu.memref_squeeze %dma_start3A_189 : memref<1x1x128xi32, #tpu.memory_space<vmem>> -> memref<128xi32, #tpu.memory_space<vmem>>
        %dma_start3A_191 = arith.constant 0 : i32
        %dma_start3A_192 = arith.constant 0 : i32
        %dma_start3A_193 = tpu.memref_slice %arg8[%dma_start3A_191, %dma_start3A_192] : memref<10112x64xf32, #tpu.memory_space<vmem_shared>> -> memref<10112x64xf32, #tpu.memory_space<vmem_shared>>
        tpu.enqueue_indirect_dma source(%dma_start3A_187 : memref<128x64xf32, #tpu.memory_space<vmem>>) target(%dma_start3A_193 : memref<10112x64xf32, #tpu.memory_space<vmem_shared>>) offsets(%dma_start3A_190 : memref<128xi32, #tpu.memory_space<vmem>>) semaphore(%run_scoped3A_183 : memref<!tpu.dma_semaphore, #tpu.memory_space<semaphore_mem>>) {add = true}
        %dma_wait3A_194 = arith.constant 0 : i32
        %dma_wait3A_195 = arith.constant 0 : i32
        %dma_wait3A_196 = tpu.memref_slice %arg7[%run_scoped3A_147, %dma_wait3A_194, %dma_wait3A_195] : memref<4x128x64xf32, #tpu.memory_space<vmem>> -> memref<1x128x64xf32, #tpu.memory_space<vmem>>
        %dma_wait3A_197 = tpu.memref_squeeze %dma_wait3A_196 : memref<1x128x64xf32, #tpu.memory_space<vmem>> -> memref<128x64xf32, #tpu.memory_space<vmem>>
        %dma_wait3A_198 = arith.constant 0 : i32
        %dma_wait3A_199 = tpu.memref_slice %arg6[%add3A_130, %run_scoped3A_148, %dma_wait3A_198] : memref<160x2x128xi32, #tpu.memory_space<vmem>> -> memref<1x1x128xi32, #tpu.memory_space<vmem>>
        %dma_wait3A_200 = tpu.memref_squeeze %dma_wait3A_199 : memref<1x1x128xi32, #tpu.memory_space<vmem>> -> memref<128xi32, #tpu.memory_space<vmem>>
        %dma_wait3A_201 = arith.constant 0 : i32
        %dma_wait3A_202 = arith.constant 0 : i32
        %dma_wait3A_203 = tpu.memref_slice %arg8[%dma_wait3A_201, %dma_wait3A_202] : memref<10112x64xf32, #tpu.memory_space<vmem_shared>> -> memref<10112x64xf32, #tpu.memory_space<vmem_shared>>
        tpu.wait_indirect_dma semaphore(%run_scoped3A_183 : memref<!tpu.dma_semaphore, #tpu.memory_space<semaphore_mem>>) src(%dma_wait3A_197 : memref<128x64xf32, #tpu.memory_space<vmem>>) dst(%dma_wait3A_203 : memref<10112x64xf32, #tpu.memory_space<vmem_shared>>)
        tpu.yield
      }) : () -> ()
      %add3A_149 = arith.constant 4 : i32
      %add3A_150 = arith.addi %add3A_130, %add3A_149 : i32
      %lt3A_151 = arith.constant 160 : i32
      %lt3A_152 = arith.cmpi slt, %add3A_150, %lt3A_151 : i32
      %convert_element_type3A_153 = arith.extui %lt3A_152 : i1 to i32
      %cond3A_154 = arith.constant 0 : i32
      %cond3A_155 = arith.cmpi ne, %convert_element_type3A_153, %cond3A_154 : i32
      scf.if %cond3A_155 {
        %add3A_183 = arith.constant 4 : i32
        %add3A_184 = arith.addi %add3A_130, %add3A_183 : i32
        %dma_start3A_185 = arith.constant 0 : i32
        %dma_start3A_186 = arith.constant 2 : i32
        %dma_start3A_187 = arith.constant 0 : i32
        %dma_start3A_188 = arith.constant 0 : i32
        %dma_start3A_189 = tpu.memref_slice %arg7[%dma_start3A_186, %dma_start3A_187, %dma_start3A_188] : memref<4x128x64xf32, #tpu.memory_space<vmem>> -> memref<1x128x64xf32, #tpu.memory_space<vmem>>
        %dma_start3A_190 = tpu.memref_squeeze %dma_start3A_189 : memref<1x128x64xf32, #tpu.memory_space<vmem>> -> memref<128x64xf32, #tpu.memory_space<vmem>>
        %dma_start3A_191 = arith.constant 0 : i32
        %dma_start3A_192 = tpu.memref_slice %arg6[%add3A_184, %dma_start3A_185, %dma_start3A_191] : memref<160x2x128xi32, #tpu.memory_space<vmem>> -> memref<1x1x128xi32, #tpu.memory_space<vmem>>
        %dma_start3A_193 = tpu.memref_squeeze %dma_start3A_192 : memref<1x1x128xi32, #tpu.memory_space<vmem>> -> memref<128xi32, #tpu.memory_space<vmem>>
        %dma_start3A_194 = arith.constant 0 : i32
        %dma_start3A_195 = arith.constant 0 : i32
        %dma_start3A_196 = tpu.memref_slice %arg2[%arg0, %dma_start3A_194, %dma_start3A_195] : memref<2x10112x64xf32, #tpu.memory_space<hbm>> -> memref<1x10112x64xf32, #tpu.memory_space<hbm>>
        %dma_start3A_197 = tpu.memref_squeeze %dma_start3A_196 : memref<1x10112x64xf32, #tpu.memory_space<hbm>> -> memref<10112x64xf32, #tpu.memory_space<hbm>>
        %dma_start3A_198 = arith.constant 0 : i32
        %dma_start3A_199 = arith.constant 0 : i32
        %dma_start3A_200 = tpu.memref_slice %dma_start3A_197[%dma_start3A_198, %dma_start3A_199] : memref<10112x64xf32, #tpu.memory_space<hbm>> -> memref<10112x64xf32, #tpu.memory_space<hbm>>
        tpu.enqueue_indirect_dma source(%dma_start3A_200 : memref<10112x64xf32, #tpu.memory_space<hbm>>) target(%dma_start3A_190 : memref<128x64xf32, #tpu.memory_space<vmem>>) offsets(%dma_start3A_193 : memref<128xi32, #tpu.memory_space<vmem>>) semaphore(%arg11 : memref<!tpu.dma_semaphore, #tpu.memory_space<semaphore_mem>>)
      } else {
      }
      %add3A_156 = arith.constant 3 : i32
      %add3A_157 = arith.addi %mul3A_80, %add3A_156 : i32
      %dma_wait3A_158 = arith.constant 0 : i32
      %dma_wait3A_159 = arith.constant 3 : i32
      %dma_wait3A_160 = arith.constant 0 : i32
      %dma_wait3A_161 = arith.constant 0 : i32
      %dma_wait3A_162 = tpu.memref_slice %arg7[%dma_wait3A_159, %dma_wait3A_160, %dma_wait3A_161] : memref<4x128x64xf32, #tpu.memory_space<vmem>> -> memref<1x128x64xf32, #tpu.memory_space<vmem>>
      %dma_wait3A_163 = tpu.memref_squeeze %dma_wait3A_162 : memref<1x128x64xf32, #tpu.memory_space<vmem>> -> memref<128x64xf32, #tpu.memory_space<vmem>>
      %dma_wait3A_164 = arith.constant 0 : i32
      %dma_wait3A_165 = tpu.memref_slice %arg6[%add3A_157, %dma_wait3A_158, %dma_wait3A_164] : memref<160x2x128xi32, #tpu.memory_space<vmem>> -> memref<1x1x128xi32, #tpu.memory_space<vmem>>
      %dma_wait3A_166 = tpu.memref_squeeze %dma_wait3A_165 : memref<1x1x128xi32, #tpu.memory_space<vmem>> -> memref<128xi32, #tpu.memory_space<vmem>>
      %dma_wait3A_167 = arith.constant 0 : i32
      %dma_wait3A_168 = arith.constant 0 : i32
      %dma_wait3A_169 = tpu.memref_slice %arg2[%arg0, %dma_wait3A_167, %dma_wait3A_168] : memref<2x10112x64xf32, #tpu.memory_space<hbm>> -> memref<1x10112x64xf32, #tpu.memory_space<hbm>>
      %dma_wait3A_170 = tpu.memref_squeeze %dma_wait3A_169 : memref<1x10112x64xf32, #tpu.memory_space<hbm>> -> memref<10112x64xf32, #tpu.memory_space<hbm>>
      %dma_wait3A_171 = arith.constant 0 : i32
      %dma_wait3A_172 = arith.constant 0 : i32
      %dma_wait3A_173 = tpu.memref_slice %dma_wait3A_170[%dma_wait3A_171, %dma_wait3A_172] : memref<10112x64xf32, #tpu.memory_space<hbm>> -> memref<10112x64xf32, #tpu.memory_space<hbm>>
      tpu.wait_indirect_dma semaphore(%arg12 : memref<!tpu.dma_semaphore, #tpu.memory_space<semaphore_mem>>) src(%dma_wait3A_173 : memref<10112x64xf32, #tpu.memory_space<hbm>>) dst(%dma_wait3A_163 : memref<128x64xf32, #tpu.memory_space<vmem>>)
      %run_scoped3A_174 = arith.constant 3 : i32
      %run_scoped3A_175 = arith.constant 1 : i32
      "tpu.region"() ({
        %run_scoped3A_183 = tpu.sem_alloc : memref<!tpu.dma_semaphore, #tpu.memory_space<semaphore_mem>>
        %dma_start3A_184 = arith.constant 0 : i32
        %dma_start3A_185 = arith.constant 0 : i32
        %dma_start3A_186 = tpu.memref_slice %arg7[%run_scoped3A_174, %dma_start3A_184, %dma_start3A_185] : memref<4x128x64xf32, #tpu.memory_space<vmem>> -> memref<1x128x64xf32, #tpu.memory_space<vmem>>
        %dma_start3A_187 = tpu.memref_squeeze %dma_start3A_186 : memref<1x128x64xf32, #tpu.memory_space<vmem>> -> memref<128x64xf32, #tpu.memory_space<vmem>>
        %dma_start3A_188 = arith.constant 0 : i32
        %dma_start3A_189 = tpu.memref_slice %arg6[%add3A_157, %run_scoped3A_175, %dma_start3A_188] : memref<160x2x128xi32, #tpu.memory_space<vmem>> -> memref<1x1x128xi32, #tpu.memory_space<vmem>>
        %dma_start3A_190 = tpu.memref_squeeze %dma_start3A_189 : memref<1x1x128xi32, #tpu.memory_space<vmem>> -> memref<128xi32, #tpu.memory_space<vmem>>
        %dma_start3A_191 = arith.constant 0 : i32
        %dma_start3A_192 = arith.constant 0 : i32
        %dma_start3A_193 = tpu.memref_slice %arg8[%dma_start3A_191, %dma_start3A_192] : memref<10112x64xf32, #tpu.memory_space<vmem_shared>> -> memref<10112x64xf32, #tpu.memory_space<vmem_shared>>
        tpu.enqueue_indirect_dma source(%dma_start3A_187 : memref<128x64xf32, #tpu.memory_space<vmem>>) target(%dma_start3A_193 : memref<10112x64xf32, #tpu.memory_space<vmem_shared>>) offsets(%dma_start3A_190 : memref<128xi32, #tpu.memory_space<vmem>>) semaphore(%run_scoped3A_183 : memref<!tpu.dma_semaphore, #tpu.memory_space<semaphore_mem>>) {add = true}
        %dma_wait3A_194 = arith.constant 0 : i32
        %dma_wait3A_195 = arith.constant 0 : i32
        %dma_wait3A_196 = tpu.memref_slice %arg7[%run_scoped3A_174, %dma_wait3A_194, %dma_wait3A_195] : memref<4x128x64xf32, #tpu.memory_space<vmem>> -> memref<1x128x64xf32, #tpu.memory_space<vmem>>
        %dma_wait3A_197 = tpu.memref_squeeze %dma_wait3A_196 : memref<1x128x64xf32, #tpu.memory_space<vmem>> -> memref<128x64xf32, #tpu.memory_space<vmem>>
        %dma_wait3A_198 = arith.constant 0 : i32
        %dma_wait3A_199 = tpu.memref_slice %arg6[%add3A_157, %run_scoped3A_175, %dma_wait3A_198] : memref<160x2x128xi32, #tpu.memory_space<vmem>> -> memref<1x1x128xi32, #tpu.memory_space<vmem>>
        %dma_wait3A_200 = tpu.memref_squeeze %dma_wait3A_199 : memref<1x1x128xi32, #tpu.memory_space<vmem>> -> memref<128xi32, #tpu.memory_space<vmem>>
        %dma_wait3A_201 = arith.constant 0 : i32
        %dma_wait3A_202 = arith.constant 0 : i32
        %dma_wait3A_203 = tpu.memref_slice %arg8[%dma_wait3A_201, %dma_wait3A_202] : memref<10112x64xf32, #tpu.memory_space<vmem_shared>> -> memref<10112x64xf32, #tpu.memory_space<vmem_shared>>
        tpu.wait_indirect_dma semaphore(%run_scoped3A_183 : memref<!tpu.dma_semaphore, #tpu.memory_space<semaphore_mem>>) src(%dma_wait3A_197 : memref<128x64xf32, #tpu.memory_space<vmem>>) dst(%dma_wait3A_203 : memref<10112x64xf32, #tpu.memory_space<vmem_shared>>)
        tpu.yield
      }) : () -> ()
      %add3A_176 = arith.constant 4 : i32
      %add3A_177 = arith.addi %add3A_157, %add3A_176 : i32
      %lt3A_178 = arith.constant 160 : i32
      %lt3A_179 = arith.cmpi slt, %add3A_177, %lt3A_178 : i32
      %convert_element_type3A_180 = arith.extui %lt3A_179 : i1 to i32
      %cond3A_181 = arith.constant 0 : i32
      %cond3A_182 = arith.cmpi ne, %convert_element_type3A_180, %cond3A_181 : i32
      scf.if %cond3A_182 {
        %add3A_183 = arith.constant 4 : i32
        %add3A_184 = arith.addi %add3A_157, %add3A_183 : i32
        %dma_start3A_185 = arith.constant 0 : i32
        %dma_start3A_186 = arith.constant 3 : i32
        %dma_start3A_187 = arith.constant 0 : i32
        %dma_start3A_188 = arith.constant 0 : i32
        %dma_start3A_189 = tpu.memref_slice %arg7[%dma_start3A_186, %dma_start3A_187, %dma_start3A_188] : memref<4x128x64xf32, #tpu.memory_space<vmem>> -> memref<1x128x64xf32, #tpu.memory_space<vmem>>
        %dma_start3A_190 = tpu.memref_squeeze %dma_start3A_189 : memref<1x128x64xf32, #tpu.memory_space<vmem>> -> memref<128x64xf32, #tpu.memory_space<vmem>>
        %dma_start3A_191 = arith.constant 0 : i32
        %dma_start3A_192 = tpu.memref_slice %arg6[%add3A_184, %dma_start3A_185, %dma_start3A_191] : memref<160x2x128xi32, #tpu.memory_space<vmem>> -> memref<1x1x128xi32, #tpu.memory_space<vmem>>
        %dma_start3A_193 = tpu.memref_squeeze %dma_start3A_192 : memref<1x1x128xi32, #tpu.memory_space<vmem>> -> memref<128xi32, #tpu.memory_space<vmem>>
        %dma_start3A_194 = arith.constant 0 : i32
        %dma_start3A_195 = arith.constant 0 : i32
        %dma_start3A_196 = tpu.memref_slice %arg2[%arg0, %dma_start3A_194, %dma_start3A_195] : memref<2x10112x64xf32, #tpu.memory_space<hbm>> -> memref<1x10112x64xf32, #tpu.memory_space<hbm>>
        %dma_start3A_197 = tpu.memref_squeeze %dma_start3A_196 : memref<1x10112x64xf32, #tpu.memory_space<hbm>> -> memref<10112x64xf32, #tpu.memory_space<hbm>>
        %dma_start3A_198 = arith.constant 0 : i32
        %dma_start3A_199 = arith.constant 0 : i32
        %dma_start3A_200 = tpu.memref_slice %dma_start3A_197[%dma_start3A_198, %dma_start3A_199] : memref<10112x64xf32, #tpu.memory_space<hbm>> -> memref<10112x64xf32, #tpu.memory_space<hbm>>
        tpu.enqueue_indirect_dma source(%dma_start3A_200 : memref<10112x64xf32, #tpu.memory_space<hbm>>) target(%dma_start3A_190 : memref<128x64xf32, #tpu.memory_space<vmem>>) offsets(%dma_start3A_193 : memref<128xi32, #tpu.memory_space<vmem>>) semaphore(%arg12 : memref<!tpu.dma_semaphore, #tpu.memory_space<semaphore_mem>>)
      } else {
      }
    }
    %scan3A_72 = arith.constant 40 : i32
    %barrier3A_73 = arith.constant 0 : index
    tpu.barrier barrier_id(%barrier3A_73)
    %mul3A_74 = arith.constant 632 : i32
    %mul3A_75 = arith.muli %arg1, %mul3A_74 : i32
    %mul3A_76 = arith.constant 632 : i32
    %mul3A_77 = arith.muli %arg1, %mul3A_76 : i32
    "tpu.region"() ({
      %run_scoped3A = tpu.sem_alloc : memref<!tpu.dma_semaphore, #tpu.memory_space<semaphore_mem>>
      %dma_start3A_78 = arith.constant 0 : i32
      %dma_start3A_79 = tpu.memref_slice %arg5[%arg0, %mul3A_77, %dma_start3A_78] : memref<2x10112x64xf32, #tpu.memory_space<hbm>> -> memref<1x632x64xf32, #tpu.memory_space<hbm>>
      %dma_start3A_80 = tpu.memref_squeeze %dma_start3A_79 : memref<1x632x64xf32, #tpu.memory_space<hbm>> -> memref<632x64xf32, #tpu.memory_space<hbm>>
      %dma_start3A_81 = arith.constant 0 : i32
      %dma_start3A_82 = tpu.memref_slice %arg8[%mul3A_75, %dma_start3A_81] : memref<10112x64xf32, #tpu.memory_space<vmem_shared>> -> memref<632x64xf32, #tpu.memory_space<vmem_shared>>
      tpu.enqueue_dma source(%dma_start3A_82 : memref<632x64xf32, #tpu.memory_space<vmem_shared>>) target(%dma_start3A_80 : memref<632x64xf32, #tpu.memory_space<hbm>>) target_semaphore(%run_scoped3A : memref<!tpu.dma_semaphore, #tpu.memory_space<semaphore_mem>>)
      %dma_wait3A = arith.constant 0 : i32
      %dma_wait3A_83 = tpu.memref_slice %arg5[%arg0, %mul3A_77, %dma_wait3A] : memref<2x10112x64xf32, #tpu.memory_space<hbm>> -> memref<1x632x64xf32, #tpu.memory_space<hbm>>
      %dma_wait3A_84 = tpu.memref_squeeze %dma_wait3A_83 : memref<1x632x64xf32, #tpu.memory_space<hbm>> -> memref<632x64xf32, #tpu.memory_space<hbm>>
      %dma_wait3A_85 = arith.constant 0 : i32
      %dma_wait3A_86 = tpu.memref_slice %arg8[%mul3A_75, %dma_wait3A_85] : memref<10112x64xf32, #tpu.memory_space<vmem_shared>> -> memref<632x64xf32, #tpu.memory_space<vmem_shared>>
      tpu.wait_dma2 semaphore(%run_scoped3A : memref<!tpu.dma_semaphore, #tpu.memory_space<semaphore_mem>>) src(%dma_wait3A_86 : memref<632x64xf32, #tpu.memory_space<vmem_shared>>) dst(%dma_wait3A_84 : memref<632x64xf32, #tpu.memory_space<hbm>>)
      tpu.yield
    }) : () -> ()
    return
  }
}

module attributes {stable_mosaic.version = 14 : i64} {
  func.func @_head_body(%arg0: i32, %arg1: memref<2528x128xf32, #tpu.memory_space<vmem>>, %arg2: memref<128x128xf32, #tpu.memory_space<vmem>>, %arg3: memref<2528x1xf32, #tpu.memory_space<vmem>>, %arg4: memref<2x1264x128xf32, #tpu.memory_space<vmem>>) attributes {dimension_semantics = [#tpu.dimension_semantics<arbitrary>], iteration_bounds = array<i64: 4>, scalar_prefetch = 0 : i64, scratch_operands = 0 : i64, tpu.core_type = #tpu.core_type<tc>, window_params = [{transform_indices = @transform_0, window_bounds = array<i64: 2528, 128>}, {pipeline_mode = #tpu.pipeline_mode<synchronous>, transform_indices = @transform_1, window_bounds = array<i64: 128, 128>}, {transform_indices = @transform_2, window_bounds = array<i64: 2528, 1>}, {transform_indices = @transform_3, window_bounds = array<i64: 2, 1264, 128>}]} {
    %get3A = arith.constant 0 : index
    %get3A_0 = arith.constant 0 : index
    %get3A_1 = vector.load %arg1[%get3A, %get3A_0] : memref<2528x128xf32, #tpu.memory_space<vmem>>, vector<2528x128xf32>
    %get3A_2 = arith.constant 0 : index
    %get3A_3 = arith.constant 0 : index
    %get3A_4 = vector.load %arg2[%get3A_2, %get3A_3] : memref<128x128xf32, #tpu.memory_space<vmem>>, vector<128x128xf32>
    %dot_general3A = arith.constant dense<0.000000e+00> : vector<2528x128xf32>
    %dot_general3A_5 = tpu.matmul %get3A_1, %get3A_4, %dot_general3A {dimension_numbers = #tpu.dot_dimension_numbers<[1], [0], [0], [1], [0, 0, 1, 1], [], []>, transpose_lhs_hint = false} : vector<2528x128xf32>, vector<128x128xf32>, vector<2528x128xf32> -> vector<2528x128xf32>
    %get3A_6 = arith.constant 0 : index
    %get3A_7 = arith.constant 0 : index
    %get3A_8 = vector.load %arg3[%get3A_6, %get3A_7] : memref<2528x1xf32, #tpu.memory_space<vmem>>, vector<2528x1xf32>
    %mul3A = vector.broadcast %get3A_8 : vector<2528x1xf32> to vector<2528x128xf32>
    %mul3A_9 = arith.mulf %dot_general3A_5, %mul3A : vector<2528x128xf32>
    %reshape3A = vector.shape_cast %mul3A_9 : vector<2528x128xf32> to vector<1264x2x128xf32>
    %slice3A = vector.extract_strided_slice %reshape3A {offsets = [0, 0, 0], sizes = [1264, 1, 64], strides = [1, 1, 1]} : vector<1264x2x128xf32> to vector<1264x1x64xf32>
    %squeeze3A = vector.shape_cast %slice3A : vector<1264x1x64xf32> to vector<1264x64xf32>
    %slice3A_10 = vector.extract_strided_slice %reshape3A {offsets = [0, 1, 0], sizes = [1264, 1, 64], strides = [1, 1, 1]} : vector<1264x2x128xf32> to vector<1264x1x64xf32>
    %squeeze3A_11 = vector.shape_cast %slice3A_10 : vector<1264x1x64xf32> to vector<1264x64xf32>
    %concatenate3A = tpu.concatenate %squeeze3A, %squeeze3A_11 in 1 : vector<1264x64xf32>, vector<1264x64xf32> -> vector<1264x128xf32>
    %slice3A_12 = vector.extract_strided_slice %reshape3A {offsets = [0, 0, 64], sizes = [1264, 1, 64], strides = [1, 1, 1]} : vector<1264x2x128xf32> to vector<1264x1x64xf32>
    %squeeze3A_13 = vector.shape_cast %slice3A_12 : vector<1264x1x64xf32> to vector<1264x64xf32>
    %slice3A_14 = vector.extract_strided_slice %reshape3A {offsets = [0, 1, 64], sizes = [1264, 1, 64], strides = [1, 1, 1]} : vector<1264x2x128xf32> to vector<1264x1x64xf32>
    %squeeze3A_15 = vector.shape_cast %slice3A_14 : vector<1264x1x64xf32> to vector<1264x64xf32>
    %concatenate3A_16 = tpu.concatenate %squeeze3A_13, %squeeze3A_15 in 1 : vector<1264x64xf32>, vector<1264x64xf32> -> vector<1264x128xf32>
    %swap3A = arith.constant 0 : index
    %swap3A_17 = arith.constant 0 : index
    %swap3A_18 = arith.constant 0 : index
    %swap3A_19 = vector.load %arg4[%swap3A, %swap3A_17, %swap3A_18] : memref<2x1264x128xf32, #tpu.memory_space<vmem>>, vector<1x1264x128xf32>
    %swap3A_20 = vector.shape_cast %swap3A_19 : vector<1x1264x128xf32> to vector<1264x128xf32>
    %swap3A_21 = vector.shape_cast %concatenate3A : vector<1264x128xf32> to vector<1x1264x128xf32>
    tpu.vector_store %arg4[%swap3A, %swap3A_17, %swap3A_18], %swap3A_21 {strides = array<i32>} : memref<2x1264x128xf32, #tpu.memory_space<vmem>>, vector<1x1264x128xf32>,
    %swap3A_22 = arith.constant 1 : index
    %swap3A_23 = arith.constant 0 : index
    %swap3A_24 = arith.constant 0 : index
    %swap3A_25 = vector.load %arg4[%swap3A_22, %swap3A_23, %swap3A_24] : memref<2x1264x128xf32, #tpu.memory_space<vmem>>, vector<1x1264x128xf32>
    %swap3A_26 = vector.shape_cast %swap3A_25 : vector<1x1264x128xf32> to vector<1264x128xf32>
    %swap3A_27 = vector.shape_cast %concatenate3A_16 : vector<1264x128xf32> to vector<1x1264x128xf32>
    tpu.vector_store %arg4[%swap3A_22, %swap3A_23, %swap3A_24], %swap3A_27 {strides = array<i32>} : memref<2x1264x128xf32, #tpu.memory_space<vmem>>, vector<1x1264x128xf32>,
    return
  }
  func.func @transform_0(%arg0: i32) -> (i32, i32) {
    %c0_i32 = arith.constant 0 : i32
    %c0_i32_0 = arith.constant 0 : i32
    return %arg0, %c0_i32 : i32, i32
  }
  func.func @transform_1(%arg0: i32) -> (i32, i32) {
    %c0_i32 = arith.constant 0 : i32
    %c0_i32_0 = arith.constant 0 : i32
    %c0_i32_1 = arith.constant 0 : i32
    return %c0_i32, %c0_i32_0 : i32, i32
  }
  func.func @transform_2(%arg0: i32) -> (i32, i32) {
    %c0_i32 = arith.constant 0 : i32
    %c0_i32_0 = arith.constant 0 : i32
    return %arg0, %c0_i32 : i32, i32
  }
  func.func @transform_3(%arg0: i32) -> (i32, i32, i32) {
    %c0_i32 = arith.constant 0 : i32
    %c0_i32_0 = arith.constant 0 : i32
    %c0_i32_1 = arith.constant 0 : i32
    return %c0_i32, %arg0, %c0_i32_0 : i32, i32, i32
  }
}

module attributes {stable_mosaic.version = 14 : i64} {
  func.func @_mid_body(%arg0: i32, %arg1: memref<2x1264x128xf32, #tpu.memory_space<vmem>>, %arg2: memref<2x1264x128xf32, #tpu.memory_space<vmem>>, %arg3: memref<2528x1xf32, #tpu.memory_space<vmem>>, %arg4: memref<1x128xf32, #tpu.memory_space<vmem>>, %arg5: memref<128x128xf32, #tpu.memory_space<vmem>>, %arg6: memref<2x1264x128xf32, #tpu.memory_space<vmem>>) attributes {dimension_semantics = [#tpu.dimension_semantics<arbitrary>], iteration_bounds = array<i64: 4>, scalar_prefetch = 0 : i64, scratch_operands = 0 : i64, tpu.core_type = #tpu.core_type<tc>, window_params = [{transform_indices = @transform_0, window_bounds = array<i64: 2, 1264, 128>}, {transform_indices = @transform_1, window_bounds = array<i64: 2, 1264, 128>}, {transform_indices = @transform_2, window_bounds = array<i64: 2528, 1>}, {pipeline_mode = #tpu.pipeline_mode<synchronous>, transform_indices = @transform_3, window_bounds = array<i64: 1, 128>}, {pipeline_mode = #tpu.pipeline_mode<synchronous>, transform_indices = @transform_4, window_bounds = array<i64: 128, 128>}, {transform_indices = @transform_5, window_bounds = array<i64: 2, 1264, 128>}]} {
    %get3A = arith.constant 0 : index
    %get3A_0 = arith.constant 0 : index
    %get3A_1 = arith.constant 0 : index
    %get3A_2 = vector.load %arg1[%get3A, %get3A_0, %get3A_1] : memref<2x1264x128xf32, #tpu.memory_space<vmem>>, vector<1x1264x128xf32>
    %get3A_3 = vector.shape_cast %get3A_2 : vector<1x1264x128xf32> to vector<1264x128xf32>
    %get3A_4 = arith.constant 0 : index
    %get3A_5 = arith.constant 0 : index
    %get3A_6 = arith.constant 0 : index
    %get3A_7 = vector.load %arg2[%get3A_4, %get3A_5, %get3A_6] : memref<2x1264x128xf32, #tpu.memory_space<vmem>>, vector<1x1264x128xf32>
    %get3A_8 = vector.shape_cast %get3A_7 : vector<1x1264x128xf32> to vector<1264x128xf32>
    %add3A = arith.addf %get3A_3, %get3A_8 : vector<1264x128xf32>
    %get3A_9 = arith.constant 1 : index
    %get3A_10 = arith.constant 0 : index
    %get3A_11 = arith.constant 0 : index
    %get3A_12 = vector.load %arg1[%get3A_9, %get3A_10, %get3A_11] : memref<2x1264x128xf32, #tpu.memory_space<vmem>>, vector<1x1264x128xf32>
    %get3A_13 = vector.shape_cast %get3A_12 : vector<1x1264x128xf32> to vector<1264x128xf32>
    %get3A_14 = arith.constant 1 : index
    %get3A_15 = arith.constant 0 : index
    %get3A_16 = arith.constant 0 : index
    %get3A_17 = vector.load %arg2[%get3A_14, %get3A_15, %get3A_16] : memref<2x1264x128xf32, #tpu.memory_space<vmem>>, vector<1x1264x128xf32>
    %get3A_18 = vector.shape_cast %get3A_17 : vector<1x1264x128xf32> to vector<1264x128xf32>
    %add3A_19 = arith.addf %get3A_13, %get3A_18 : vector<1264x128xf32>
    %slice3A = vector.extract_strided_slice %add3A {offsets = [0, 0], sizes = [1264, 64], strides = [1, 1]} : vector<1264x128xf32> to vector<1264x64xf32>
    %slice3A_20 = vector.extract_strided_slice %add3A_19 {offsets = [0, 0], sizes = [1264, 64], strides = [1, 1]} : vector<1264x128xf32> to vector<1264x64xf32>
    %concatenate3A = tpu.concatenate %slice3A, %slice3A_20 in 1 : vector<1264x64xf32>, vector<1264x64xf32> -> vector<1264x128xf32>
    %broadcast_in_dim3A = vector.shape_cast %concatenate3A : vector<1264x128xf32> to vector<1264x1x128xf32>
    %slice3A_21 = vector.extract_strided_slice %add3A {offsets = [0, 64], sizes = [1264, 64], strides = [1, 1]} : vector<1264x128xf32> to vector<1264x64xf32>
    %slice3A_22 = vector.extract_strided_slice %add3A_19 {offsets = [0, 64], sizes = [1264, 64], strides = [1, 1]} : vector<1264x128xf32> to vector<1264x64xf32>
    %concatenate3A_23 = tpu.concatenate %slice3A_21, %slice3A_22 in 1 : vector<1264x64xf32>, vector<1264x64xf32> -> vector<1264x128xf32>
    %broadcast_in_dim3A_24 = vector.shape_cast %concatenate3A_23 : vector<1264x128xf32> to vector<1264x1x128xf32>
    %concatenate3A_25 = tpu.concatenate %broadcast_in_dim3A, %broadcast_in_dim3A_24 in 1 : vector<1264x1x128xf32>, vector<1264x1x128xf32> -> vector<1264x2x128xf32>
    %reshape3A = vector.shape_cast %concatenate3A_25 : vector<1264x2x128xf32> to vector<2528x128xf32>
    %get3A_26 = arith.constant 0 : index
    %get3A_27 = arith.constant 0 : index
    %get3A_28 = vector.load %arg3[%get3A_26, %get3A_27] : memref<2528x1xf32, #tpu.memory_space<vmem>>, vector<2528x1xf32>
    %mul3A = vector.broadcast %get3A_28 : vector<2528x1xf32> to vector<2528x128xf32>
    %mul3A_29 = arith.mulf %reshape3A, %mul3A : vector<2528x128xf32>
    %get3A_30 = arith.constant 0 : index
    %get3A_31 = arith.constant 0 : index
    %get3A_32 = vector.load %arg4[%get3A_30, %get3A_31] : memref<1x128xf32, #tpu.memory_space<vmem>>, vector<1x128xf32>
    %add3A_33 = vector.broadcast %get3A_32 : vector<1x128xf32> to vector<2528x128xf32>
    %add3A_34 = arith.addf %mul3A_29, %add3A_33 : vector<2528x128xf32>
    %max3A = arith.constant 0.000000e+00 : f32
    %max3A_35 = vector.broadcast %max3A : f32 to vector<2528x128xf32>
    %max3A_36 = arith.maximumf %add3A_34, %max3A_35 : vector<2528x128xf32>
    %get3A_37 = arith.constant 0 : index
    %get3A_38 = arith.constant 0 : index
    %get3A_39 = vector.load %arg5[%get3A_37, %get3A_38] : memref<128x128xf32, #tpu.memory_space<vmem>>, vector<128x128xf32>
    %dot_general3A = arith.constant dense<0.000000e+00> : vector<2528x128xf32>
    %dot_general3A_40 = tpu.matmul %max3A_36, %get3A_39, %dot_general3A {dimension_numbers = #tpu.dot_dimension_numbers<[1], [0], [0], [1], [0, 0, 1, 1], [], []>, transpose_lhs_hint = false} : vector<2528x128xf32>, vector<128x128xf32>, vector<2528x128xf32> -> vector<2528x128xf32>
    %get3A_41 = arith.constant 0 : index
    %get3A_42 = arith.constant 0 : index
    %get3A_43 = vector.load %arg3[%get3A_41, %get3A_42] : memref<2528x1xf32, #tpu.memory_space<vmem>>, vector<2528x1xf32>
    %mul3A_44 = vector.broadcast %get3A_43 : vector<2528x1xf32> to vector<2528x128xf32>
    %mul3A_45 = arith.mulf %dot_general3A_40, %mul3A_44 : vector<2528x128xf32>
    %reshape3A_46 = vector.shape_cast %mul3A_45 : vector<2528x128xf32> to vector<1264x2x128xf32>
    %slice3A_47 = vector.extract_strided_slice %reshape3A_46 {offsets = [0, 0, 0], sizes = [1264, 1, 64], strides = [1, 1, 1]} : vector<1264x2x128xf32> to vector<1264x1x64xf32>
    %squeeze3A = vector.shape_cast %slice3A_47 : vector<1264x1x64xf32> to vector<1264x64xf32>
    %slice3A_48 = vector.extract_strided_slice %reshape3A_46 {offsets = [0, 1, 0], sizes = [1264, 1, 64], strides = [1, 1, 1]} : vector<1264x2x128xf32> to vector<1264x1x64xf32>
    %squeeze3A_49 = vector.shape_cast %slice3A_48 : vector<1264x1x64xf32> to vector<1264x64xf32>
    %concatenate3A_50 = tpu.concatenate %squeeze3A, %squeeze3A_49 in 1 : vector<1264x64xf32>, vector<1264x64xf32> -> vector<1264x128xf32>
    %slice3A_51 = vector.extract_strided_slice %reshape3A_46 {offsets = [0, 0, 64], sizes = [1264, 1, 64], strides = [1, 1, 1]} : vector<1264x2x128xf32> to vector<1264x1x64xf32>
    %squeeze3A_52 = vector.shape_cast %slice3A_51 : vector<1264x1x64xf32> to vector<1264x64xf32>
    %slice3A_53 = vector.extract_strided_slice %reshape3A_46 {offsets = [0, 1, 64], sizes = [1264, 1, 64], strides = [1, 1, 1]} : vector<1264x2x128xf32> to vector<1264x1x64xf32>
    %squeeze3A_54 = vector.shape_cast %slice3A_53 : vector<1264x1x64xf32> to vector<1264x64xf32>
    %concatenate3A_55 = tpu.concatenate %squeeze3A_52, %squeeze3A_54 in 1 : vector<1264x64xf32>, vector<1264x64xf32> -> vector<1264x128xf32>
    %swap3A = arith.constant 0 : index
    %swap3A_56 = arith.constant 0 : index
    %swap3A_57 = arith.constant 0 : index
    %swap3A_58 = vector.load %arg6[%swap3A, %swap3A_56, %swap3A_57] : memref<2x1264x128xf32, #tpu.memory_space<vmem>>, vector<1x1264x128xf32>
    %swap3A_59 = vector.shape_cast %swap3A_58 : vector<1x1264x128xf32> to vector<1264x128xf32>
    %swap3A_60 = vector.shape_cast %concatenate3A_50 : vector<1264x128xf32> to vector<1x1264x128xf32>
    tpu.vector_store %arg6[%swap3A, %swap3A_56, %swap3A_57], %swap3A_60 {strides = array<i32>} : memref<2x1264x128xf32, #tpu.memory_space<vmem>>, vector<1x1264x128xf32>,
    %swap3A_61 = arith.constant 1 : index
    %swap3A_62 = arith.constant 0 : index
    %swap3A_63 = arith.constant 0 : index
    %swap3A_64 = vector.load %arg6[%swap3A_61, %swap3A_62, %swap3A_63] : memref<2x1264x128xf32, #tpu.memory_space<vmem>>, vector<1x1264x128xf32>
    %swap3A_65 = vector.shape_cast %swap3A_64 : vector<1x1264x128xf32> to vector<1264x128xf32>
    %swap3A_66 = vector.shape_cast %concatenate3A_55 : vector<1264x128xf32> to vector<1x1264x128xf32>
    tpu.vector_store %arg6[%swap3A_61, %swap3A_62, %swap3A_63], %swap3A_66 {strides = array<i32>} : memref<2x1264x128xf32, #tpu.memory_space<vmem>>, vector<1x1264x128xf32>,
    return
  }
  func.func @transform_0(%arg0: i32) -> (i32, i32, i32) {
    %c0_i32 = arith.constant 0 : i32
    %c0_i32_0 = arith.constant 0 : i32
    %c0_i32_1 = arith.constant 0 : i32
    return %c0_i32, %arg0, %c0_i32_0 : i32, i32, i32
  }
  func.func @transform_1(%arg0: i32) -> (i32, i32, i32) {
    %c0_i32 = arith.constant 0 : i32
    %c0_i32_0 = arith.constant 0 : i32
    %c0_i32_1 = arith.constant 0 : i32
    return %c0_i32, %arg0, %c0_i32_0 : i32, i32, i32
  }
  func.func @transform_2(%arg0: i32) -> (i32, i32) {
    %c0_i32 = arith.constant 0 : i32
    %c0_i32_0 = arith.constant 0 : i32
    return %arg0, %c0_i32 : i32, i32
  }
  func.func @transform_3(%arg0: i32) -> (i32, i32) {
    %c0_i32 = arith.constant 0 : i32
    %c0_i32_0 = arith.constant 0 : i32
    %c0_i32_1 = arith.constant 0 : i32
    return %c0_i32, %c0_i32_0 : i32, i32
  }
  func.func @transform_4(%arg0: i32) -> (i32, i32) {
    %c0_i32 = arith.constant 0 : i32
    %c0_i32_0 = arith.constant 0 : i32
    %c0_i32_1 = arith.constant 0 : i32
    return %c0_i32, %c0_i32_0 : i32, i32
  }
  func.func @transform_5(%arg0: i32) -> (i32, i32, i32) {
    %c0_i32 = arith.constant 0 : i32
    %c0_i32_0 = arith.constant 0 : i32
    %c0_i32_1 = arith.constant 0 : i32
    return %c0_i32, %arg0, %c0_i32_0 : i32, i32, i32
  }
}

module attributes {stable_mosaic.version = 14 : i64} {
  func.func @_tail_body(%arg0: i32, %arg1: memref<2x1264x128xf32, #tpu.memory_space<vmem>>, %arg2: memref<2x1264x128xf32, #tpu.memory_space<vmem>>, %arg3: memref<2528x1xf32, #tpu.memory_space<vmem>>, %arg4: memref<1x128xf32, #tpu.memory_space<vmem>>, %arg5: memref<2528x1xi32, #tpu.memory_space<vmem>>, %arg6: memref<128x16xf32, #tpu.memory_space<vmem>>, %arg7: memref<1x16xf32, #tpu.memory_space<vmem>>, %arg8: memref<64x16xf32, #tpu.memory_space<vmem>>, %arg9: memref<64x128xf32, #tpu.memory_space<vmem>>, %arg10: memref<64x128xf32, #tpu.memory_space<vmem>>) attributes {dimension_semantics = [#tpu.dimension_semantics<arbitrary>], iteration_bounds = array<i64: 4>, scalar_prefetch = 0 : i64, scratch_operands = 2 : i64, tpu.core_type = #tpu.core_type<tc>, window_params = [{transform_indices = @transform_0, window_bounds = array<i64: 2, 1264, 128>}, {transform_indices = @transform_1, window_bounds = array<i64: 2, 1264, 128>}, {transform_indices = @transform_2, window_bounds = array<i64: 2528, 1>}, {pipeline_mode = #tpu.pipeline_mode<synchronous>, transform_indices = @transform_3, window_bounds = array<i64: 1, 128>}, {transform_indices = @transform_4, window_bounds = array<i64: 2528, 1>}, {pipeline_mode = #tpu.pipeline_mode<synchronous>, transform_indices = @transform_5, window_bounds = array<i64: 128, 16>}, {pipeline_mode = #tpu.pipeline_mode<synchronous>, transform_indices = @transform_6, window_bounds = array<i64: 1, 16>}, {pipeline_mode = #tpu.pipeline_mode<synchronous>, transform_indices = @transform_7, window_bounds = array<i64: 64, 16>}]} {
    %eq3A = arith.constant 0 : i32
    %eq3A_0 = arith.cmpi eq, %arg0, %eq3A : i32
    %convert_element_type3A = arith.extui %eq3A_0 : i1 to i32
    %cond3A = arith.constant 0 : i32
    %cond3A_1 = arith.cmpi ne, %convert_element_type3A, %cond3A : i32
    scf.if %cond3A_1 {
      %broadcast_in_dim3A_69 = arith.constant 0.000000e+00 : f32
      %broadcast_in_dim3A_70 = vector.broadcast %broadcast_in_dim3A_69 : f32 to vector<64x128xf32>
      %swap3A_71 = arith.constant 0 : index
      %swap3A_72 = arith.constant 0 : index
      %swap3A_73 = vector.load %arg9[%swap3A_71, %swap3A_72] : memref<64x128xf32, #tpu.memory_space<vmem>>, vector<64x128xf32>
      tpu.vector_store %arg9[%swap3A_71, %swap3A_72], %broadcast_in_dim3A_70 {strides = array<i32>} : memref<64x128xf32, #tpu.memory_space<vmem>>, vector<64x128xf32>,
      %broadcast_in_dim3A_74 = arith.constant 0.000000e+00 : f32
      %broadcast_in_dim3A_75 = vector.broadcast %broadcast_in_dim3A_74 : f32 to vector<64x128xf32>
      %swap3A_76 = arith.constant 0 : index
      %swap3A_77 = arith.constant 0 : index
      %swap3A_78 = vector.load %arg10[%swap3A_76, %swap3A_77] : memref<64x128xf32, #tpu.memory_space<vmem>>, vector<64x128xf32>
      tpu.vector_store %arg10[%swap3A_76, %swap3A_77], %broadcast_in_dim3A_75 {strides = array<i32>} : memref<64x128xf32, #tpu.memory_space<vmem>>, vector<64x128xf32>,
    } else {
    }
    %get3A = arith.constant 0 : index
    %get3A_2 = arith.constant 0 : index
    %get3A_3 = arith.constant 0 : index
    %get3A_4 = vector.load %arg1[%get3A, %get3A_2, %get3A_3] : memref<2x1264x128xf32, #tpu.memory_space<vmem>>, vector<1x1264x128xf32>
    %get3A_5 = vector.shape_cast %get3A_4 : vector<1x1264x128xf32> to vector<1264x128xf32>
    %get3A_6 = arith.constant 0 : index
    %get3A_7 = arith.constant 0 : index
    %get3A_8 = arith.constant 0 : index
    %get3A_9 = vector.load %arg2[%get3A_6, %get3A_7, %get3A_8] : memref<2x1264x128xf32, #tpu.memory_space<vmem>>, vector<1x1264x128xf32>
    %get3A_10 = vector.shape_cast %get3A_9 : vector<1x1264x128xf32> to vector<1264x128xf32>
    %add3A = arith.addf %get3A_5, %get3A_10 : vector<1264x128xf32>
    %get3A_11 = arith.constant 1 : index
    %get3A_12 = arith.constant 0 : index
    %get3A_13 = arith.constant 0 : index
    %get3A_14 = vector.load %arg1[%get3A_11, %get3A_12, %get3A_13] : memref<2x1264x128xf32, #tpu.memory_space<vmem>>, vector<1x1264x128xf32>
    %get3A_15 = vector.shape_cast %get3A_14 : vector<1x1264x128xf32> to vector<1264x128xf32>
    %get3A_16 = arith.constant 1 : index
    %get3A_17 = arith.constant 0 : index
    %get3A_18 = arith.constant 0 : index
    %get3A_19 = vector.load %arg2[%get3A_16, %get3A_17, %get3A_18] : memref<2x1264x128xf32, #tpu.memory_space<vmem>>, vector<1x1264x128xf32>
    %get3A_20 = vector.shape_cast %get3A_19 : vector<1x1264x128xf32> to vector<1264x128xf32>
    %add3A_21 = arith.addf %get3A_15, %get3A_20 : vector<1264x128xf32>
    %slice3A = vector.extract_strided_slice %add3A {offsets = [0, 0], sizes = [1264, 64], strides = [1, 1]} : vector<1264x128xf32> to vector<1264x64xf32>
    %slice3A_22 = vector.extract_strided_slice %add3A_21 {offsets = [0, 0], sizes = [1264, 64], strides = [1, 1]} : vector<1264x128xf32> to vector<1264x64xf32>
    %concatenate3A = tpu.concatenate %slice3A, %slice3A_22 in 1 : vector<1264x64xf32>, vector<1264x64xf32> -> vector<1264x128xf32>
    %broadcast_in_dim3A = vector.shape_cast %concatenate3A : vector<1264x128xf32> to vector<1264x1x128xf32>
    %slice3A_23 = vector.extract_strided_slice %add3A {offsets = [0, 64], sizes = [1264, 64], strides = [1, 1]} : vector<1264x128xf32> to vector<1264x64xf32>
    %slice3A_24 = vector.extract_strided_slice %add3A_21 {offsets = [0, 64], sizes = [1264, 64], strides = [1, 1]} : vector<1264x128xf32> to vector<1264x64xf32>
    %concatenate3A_25 = tpu.concatenate %slice3A_23, %slice3A_24 in 1 : vector<1264x64xf32>, vector<1264x64xf32> -> vector<1264x128xf32>
    %broadcast_in_dim3A_26 = vector.shape_cast %concatenate3A_25 : vector<1264x128xf32> to vector<1264x1x128xf32>
    %concatenate3A_27 = tpu.concatenate %broadcast_in_dim3A, %broadcast_in_dim3A_26 in 1 : vector<1264x1x128xf32>, vector<1264x1x128xf32> -> vector<1264x2x128xf32>
    %reshape3A = vector.shape_cast %concatenate3A_27 : vector<1264x2x128xf32> to vector<2528x128xf32>
    %get3A_28 = arith.constant 0 : index
    %get3A_29 = arith.constant 0 : index
    %get3A_30 = vector.load %arg3[%get3A_28, %get3A_29] : memref<2528x1xf32, #tpu.memory_space<vmem>>, vector<2528x1xf32>
    %mul3A = vector.broadcast %get3A_30 : vector<2528x1xf32> to vector<2528x128xf32>
    %mul3A_31 = arith.mulf %reshape3A, %mul3A : vector<2528x128xf32>
    %get3A_32 = arith.constant 0 : index
    %get3A_33 = arith.constant 0 : index
    %get3A_34 = vector.load %arg4[%get3A_32, %get3A_33] : memref<1x128xf32, #tpu.memory_space<vmem>>, vector<1x128xf32>
    %add3A_35 = vector.broadcast %get3A_34 : vector<1x128xf32> to vector<2528x128xf32>
    %add3A_36 = arith.addf %mul3A_31, %add3A_35 : vector<2528x128xf32>
    %max3A = arith.constant 0.000000e+00 : f32
    %max3A_37 = vector.broadcast %max3A : f32 to vector<2528x128xf32>
    %max3A_38 = arith.maximumf %add3A_36, %max3A_37 : vector<2528x128xf32>
    %get3A_39 = arith.constant 0 : index
    %get3A_40 = arith.constant 0 : index
    %get3A_41 = vector.load %arg5[%get3A_39, %get3A_40] : memref<2528x1xi32, #tpu.memory_space<vmem>>, vector<2528x1xi32>
    %iota3A = tpu.iota {dimensions = array<i32: 1>} : vector<2528x64xi32>
    %eq3A_42 = vector.broadcast %get3A_41 : vector<2528x1xi32> to vector<2528x64xi32>
    %eq3A_43 = arith.cmpi eq, %eq3A_42, %iota3A : vector<2528x64xi32>
    %convert_element_type3A_44 = arith.extui %eq3A_43 : vector<2528x64xi1> to vector<2528x64xi32>
    %convert_element_type3A_45 = arith.sitofp %convert_element_type3A_44 : vector<2528x64xi32> to vector<2528x64xf32>
    %get3A_46 = arith.constant 0 : index
    %get3A_47 = arith.constant 0 : index
    %get3A_48 = vector.load %arg9[%get3A_46, %get3A_47] : memref<64x128xf32, #tpu.memory_space<vmem>>, vector<64x128xf32>
    %dot_general3A = arith.constant dense<0.000000e+00> : vector<64x128xf32>
    %dot_general3A_49 = tpu.matmul %convert_element_type3A_45, %max3A_38, %dot_general3A {dimension_numbers = #tpu.dot_dimension_numbers<[0], [0], [1], [1], [0, 1, 1, 1], [], []>, transpose_lhs_hint = false} : vector<2528x64xf32>, vector<2528x128xf32>, vector<64x128xf32> -> vector<64x128xf32>
    %add3A_50 = arith.addf %get3A_48, %dot_general3A_49 : vector<64x128xf32>
    %swap3A = arith.constant 0 : index
    %swap3A_51 = arith.constant 0 : index
    %swap3A_52 = vector.load %arg9[%swap3A, %swap3A_51] : memref<64x128xf32, #tpu.memory_space<vmem>>, vector<64x128xf32>
    tpu.vector_store %arg9[%swap3A, %swap3A_51], %add3A_50 {strides = array<i32>} : memref<64x128xf32, #tpu.memory_space<vmem>>, vector<64x128xf32>,
    %get3A_53 = arith.constant 0 : index
    %get3A_54 = arith.constant 0 : index
    %get3A_55 = vector.load %arg10[%get3A_53, %get3A_54] : memref<64x128xf32, #tpu.memory_space<vmem>>, vector<64x128xf32>
    %broadcast_in_dim3A_56 = arith.constant 1.000000e+00 : f32
    %broadcast_in_dim3A_57 = vector.broadcast %broadcast_in_dim3A_56 : f32 to vector<2528x128xf32>
    %dot_general3A_58 = arith.constant dense<0.000000e+00> : vector<64x128xf32>
    %dot_general3A_59 = tpu.matmul %convert_element_type3A_45, %broadcast_in_dim3A_57, %dot_general3A_58 {dimension_numbers = #tpu.dot_dimension_numbers<[0], [0], [1], [1], [0, 1, 1, 1], [], []>, transpose_lhs_hint = false} : vector<2528x64xf32>, vector<2528x128xf32>, vector<64x128xf32> -> vector<64x128xf32>
    %add3A_60 = arith.addf %get3A_55, %dot_general3A_59 : vector<64x128xf32>
    %swap3A_61 = arith.constant 0 : index
    %swap3A_62 = arith.constant 0 : index
    %swap3A_63 = vector.load %arg10[%swap3A_61, %swap3A_62] : memref<64x128xf32, #tpu.memory_space<vmem>>, vector<64x128xf32>
    tpu.vector_store %arg10[%swap3A_61, %swap3A_62], %add3A_60 {strides = array<i32>} : memref<64x128xf32, #tpu.memory_space<vmem>>, vector<64x128xf32>,
    %eq3A_64 = arith.constant 3 : i32
    %eq3A_65 = arith.cmpi eq, %arg0, %eq3A_64 : i32
    %convert_element_type3A_66 = arith.extui %eq3A_65 : i1 to i32
    %cond3A_67 = arith.constant 0 : i32
    %cond3A_68 = arith.cmpi ne, %convert_element_type3A_66, %cond3A_67 : i32
    scf.if %cond3A_68 {
      %get3A_69 = arith.constant 0 : index
      %get3A_70 = arith.constant 0 : index
      %get3A_71 = vector.load %arg9[%get3A_69, %get3A_70] : memref<64x128xf32, #tpu.memory_space<vmem>>, vector<64x128xf32>
      %get3A_72 = arith.constant 0 : index
      %get3A_73 = arith.constant 0 : index
      %get3A_74 = vector.load %arg10[%get3A_72, %get3A_73] : memref<64x128xf32, #tpu.memory_space<vmem>>, vector<64x128xf32>
      %max3A_75 = arith.constant 1.000000e+00 : f32
      %max3A_76 = vector.broadcast %max3A_75 : f32 to vector<64x128xf32>
      %max3A_77 = arith.maximumf %get3A_74, %max3A_76 : vector<64x128xf32>
      %div3A = arith.divf %get3A_71, %max3A_77 : vector<64x128xf32>
      %get3A_78 = arith.constant 0 : index
      %get3A_79 = arith.constant 0 : index
      %get3A_80 = vector.load %arg6[%get3A_78, %get3A_79] : memref<128x16xf32, #tpu.memory_space<vmem>>, vector<128x16xf32>
      %dot_general3A_81 = arith.constant dense<0.000000e+00> : vector<64x16xf32>
      %dot_general3A_82 = tpu.matmul %div3A, %get3A_80, %dot_general3A_81 {dimension_numbers = #tpu.dot_dimension_numbers<[1], [0], [0], [1], [0, 0, 1, 1], [], []>, transpose_lhs_hint = false} : vector<64x128xf32>, vector<128x16xf32>, vector<64x16xf32> -> vector<64x16xf32>
      %get3A_83 = arith.constant 0 : index
      %get3A_84 = arith.constant 0 : index
      %get3A_85 = vector.load %arg7[%get3A_83, %get3A_84] : memref<1x16xf32, #tpu.memory_space<vmem>>, vector<1x16xf32>
      %add3A_86 = vector.broadcast %get3A_85 : vector<1x16xf32> to vector<64x16xf32>
      %add3A_87 = arith.addf %dot_general3A_82, %add3A_86 : vector<64x16xf32>
      %swap3A_88 = arith.constant 0 : index
      %swap3A_89 = arith.constant 0 : index
      %swap3A_90 = vector.load %arg8[%swap3A_88, %swap3A_89] : memref<64x16xf32, #tpu.memory_space<vmem>>, vector<64x16xf32>
      tpu.vector_store %arg8[%swap3A_88, %swap3A_89], %add3A_87 {strides = array<i32>} : memref<64x16xf32, #tpu.memory_space<vmem>>, vector<64x16xf32>,
    } else {
    }
    return
  }
  func.func @transform_0(%arg0: i32) -> (i32, i32, i32) {
    %c0_i32 = arith.constant 0 : i32
    %c0_i32_0 = arith.constant 0 : i32
    %c0_i32_1 = arith.constant 0 : i32
    return %c0_i32, %arg0, %c0_i32_0 : i32, i32, i32
  }
  func.func @transform_1(%arg0: i32) -> (i32, i32, i32) {
    %c0_i32 = arith.constant 0 : i32
    %c0_i32_0 = arith.constant 0 : i32
    %c0_i32_1 = arith.constant 0 : i32
    return %c0_i32, %arg0, %c0_i32_0 : i32, i32, i32
  }
  func.func @transform_2(%arg0: i32) -> (i32, i32) {
    %c0_i32 = arith.constant 0 : i32
    %c0_i32_0 = arith.constant 0 : i32
    return %arg0, %c0_i32 : i32, i32
  }
  func.func @transform_3(%arg0: i32) -> (i32, i32) {
    %c0_i32 = arith.constant 0 : i32
    %c0_i32_0 = arith.constant 0 : i32
    %c0_i32_1 = arith.constant 0 : i32
    return %c0_i32, %c0_i32_0 : i32, i32
  }
  func.func @transform_4(%arg0: i32) -> (i32, i32) {
    %c0_i32 = arith.constant 0 : i32
    %c0_i32_0 = arith.constant 0 : i32
    return %arg0, %c0_i32 : i32, i32
  }
  func.func @transform_5(%arg0: i32) -> (i32, i32) {
    %c0_i32 = arith.constant 0 : i32
    %c0_i32_0 = arith.constant 0 : i32
    %c0_i32_1 = arith.constant 0 : i32
    return %c0_i32, %c0_i32_0 : i32, i32
  }
  func.func @transform_6(%arg0: i32) -> (i32, i32) {
    %c0_i32 = arith.constant 0 : i32
    %c0_i32_0 = arith.constant 0 : i32
    %c0_i32_1 = arith.constant 0 : i32
    return %c0_i32, %c0_i32_0 : i32, i32
  }
  func.func @transform_7(%arg0: i32) -> (i32, i32) {
    %c0_i32 = arith.constant 0 : i32
    %c0_i32_0 = arith.constant 0 : i32
    %c0_i32_1 = arith.constant 0 : i32
    return %c0_i32, %c0_i32_0 : i32, i32
  }
}

</mosaic_0001>

<sc_bundles>
// kernel: kernel.11.cloned.1.call-start
scs
__scs_entry_jumppad:
0x0: {  	(pc) =	sbr.rel $0x88, $3  }
0x1: {  	(tag) =	ssettag $0x0;
	lr =	simm.s32 $0x1  }
0x2: {  	[smem:$0x3F98] =	sst lr;
	_ =	strace $0xD0000000  }
0x3: {  	_ = 	snop  }
0x4: {  	_ = 	snop  }
0x5: {  	_ = 	snop  }
0x6: {  	_ = 	snop  }
0x7: {  	_ = 	snop  }
__scs_overlays_trampoline_lowered:
0x8: {  	[smem:$0x3FA7] =	sst s0  }
0x9: {  	[smem:$0x3FA8] =	sst s1  }
0xa: {  	[smem:$0x3FA9] =	sst s2  }
0xb: {  	[smem:$0x3FAA] =	sst s3  }
0xc: {  	[smem:$0x3FAB] =	sst s4  }
0xd: {  	[smem:$0x3FAC] =	sst s5  }
0xe: {  	[smem:$0x3FAD] =	sst s6  }
0xf: {  	[smem:$0x3FAE] =	sst s7  }
0x10: {  	[smem:$0x3FAF] =	sst s8  }
0x11: {  	[smem:$0x3FB0] =	sst s9;
	s0 =	simm.s32 @!p0 $0x0  }
0x12: {  	s1 =	sld [smem:$0x3F96];
	s0 =	simm.s32 @p0 $0x1  }
0x13: {  	[smem:$0x3FB1] =	sst s0;
	s0 =	simm.s32 @!p1 $0x0  }
0x14: {  	s2 =	sld [smem:$0x3F95];
	s0 =	simm.s32 @p1 $0x1  }
0x15: {  	[smem:$0x3FB2] =	sst s0;
	s0 =	simm.s32 @!p2 $0x0  }
0x16: {  	s3 =	sld [smem:$0x3FDB];
	s0 =	simm.s32 @p2 $0x1  }
0x17: {  	s4 =	simm.s32 $0x1BF5;
	[smem:$0x3FB4] =	sst s0  }
0x18: {  	s0 =	sld [smem:$0x3F97];
	_ =	swait.ge [sflag:s4], $0x0  }
0x19: {  	s7 =	sld [smem:$0x3F98]  }
0x1a: {  	s8 =	sadd.s32 $0xFFFFE003, lr  }
0x1b: {  	s9 =	sadd.s32 $0xFFFFFEF7, lr;
	s5 =	simm.s32 $0xFFFFFFFF;
	p2 =	slt.u32 s8, $0xFFFFF086  }
0x1c: {  	p1 =	slt.u32 s9, $0xF7A;
	s5 =	simm.s32 @!p2 $0x0  }
0x1d: {  	s5 =	simm.s32 @p1 $0x1;
	p0 =	seq.s32 s7, s2  }
0x1e: {  	s7 =	smul.u32 @!p0 $0xF7A, s2;
	p2 =	seq.s32 @!p0 s5, $0x0  }
0x1f: {  	s9 =	smul.u32 $0xF7A, s1;
	s8 =	simm.s32 @!p0 $0x1BF5;
	p2 =	por !p2, p0  }
0x20: {  	[sflag:s8] =	ssyncset.s32 @!p0 $0xFFFFF086;
	s6 =	sadd.s32 @!p0 s3, s7;
	s7 =	simm.s32 @!p0 $0x108  }
0x21: {  	s3 =	sadd.s32 s3, s9;
	s6 =	sadd.s32 @!p0 $0x88, s6;
	s7 =	simm.s32 @p2 $0x1082  }
0x22: {  	[simem:s7], [sflag:s8] =	dma.local @!p0 [hbm:s6], $0xF7A  }
0x23: {  	s9 =	sor.u32 $0xD0000000, s2;
	s6 =	simm.s32 $0x108;
	_ =	swait.ge @!p0 [sflag:s8], $0x0  }
0x24: {  	s3 =	sadd.s32 $0x88, s3;
	s6 =	simm.s32 @!p1 $0x1082;
	[sflag:s4] =	ssyncset.s32 $0xFFFFF086  }
0x25: {  	[simem:s6], [sflag:s4] =	dma.local [hbm:s3], $0xF7A  }
0x26: {  	[smem:$0x3F98] =	sst s1;
	(tag) =	ssettag s2;
	_ =	strace s9  }
0x27: {  	s1 =	sld [smem:$0x3FA8]  }
0x28: {  	s2 =	sld [smem:$0x3FA9]  }
0x29: {  	s4 =	sld [smem:$0x3FAB]  }
0x2a: {  	p0 =	seq.s32 s5, $0x0;
	s5 =	sld [smem:$0x3FAC]  }
0x2b: {  	s6 =	sld [smem:$0x3FAD]  }
0x2c: {  	s7 =	sld [smem:$0x3FAE]  }
0x2d: {  	s3 =	simm.s32 $0x108;
	s8 =	sld [smem:$0x3FAF]  }
0x2e: {  	s3 =	simm.s32 @!p0 $0x1082;
	s9 =	sld [smem:$0x3FB0]  }
0x2f: {  	lr =	sadd.s32 s0, s3;
	s0 =	sld [smem:$0x3FA7]  }
0x30: {  	s3 =	sld [smem:$0x3FAA]  }
0x31: {  	[smem:$0x3FB3] =	sst s10  }
0x32: {  	s10 =	sld [smem:$0x3FB1];
	_ =	sdelay $0x3  }
0x33: {  	p0 =	seq.s32 s10, $0x1;
	s10 =	sld [smem:$0x3FB3];
	_ =	sdelay $0x3  }
0x34: {  	[smem:$0x3FB3] =	sst s10  }
0x35: {  	s10 =	sld [smem:$0x3FB2];
	_ =	sdelay $0x3  }
0x36: {  	p1 =	seq.s32 s10, $0x1;
	s10 =	sld [smem:$0x3FB3];
	_ =	sdelay $0x3  }
0x37: {  	[smem:$0x3FB3] =	sst s10  }
0x38: {  	s10 =	sld [smem:$0x3FB4]  }
0x39: {  	_ = 	snop;
	(pc) =	sbr.ind lr, $3  }
0x3a: {  	_ = 	snop  }
0x3b: {  	_ = 	snop  }
0x3c: {  	p2 =	seq.s32 s10, $0x1;
	s10 =	sld [smem:$0x3FB3]  }
0x3d: {  	_ =	shalt  }
0x3e: {  	_ =	shalt  }
0x3f: {  	_ =	shalt  }
0x40: {  	_ =	shalt  }
0x41: {  	_ =	shalt  }
0x42: {  	_ =	shalt  }
0x43: {  	_ =	shalt  }
0x44: {  	_ =	shalt  }
0x45: {  	_ =	shalt  }
0x46: {  	_ =	shalt  }
0x47: {  	_ =	shalt  }
0x48: {  	_ =	shalt  }
0x49: {  	_ =	shalt  }
0x4a: {  	_ =	shalt  }
0x4b: {  	_ =	shalt  }
0x4c: {  	_ =	shalt  }
0x4d: {  	_ =	shalt  }
0x4e: {  	_ =	shalt  }
0x4f: {  	_ =	shalt  }
0x50: {  	_ =	shalt  }
0x51: {  	_ =	shalt  }
0x52: {  	_ =	shalt  }
0x53: {  	_ =	shalt  }
0x54: {  	_ =	shalt  }
0x55: {  	_ =	shalt  }
0x56: {  	_ =	shalt  }
0x57: {  	_ =	shalt  }
0x58: {  	_ =	shalt  }
0x59: {  	_ =	shalt  }
0x5a: {  	_ =	shalt  }
0x5b: {  	_ =	shalt  }
0x5c: {  	_ =	shalt  }
0x5d: {  	_ =	shalt  }
0x5e: {  	_ =	shalt  }
0x5f: {  	_ =	shalt  }
0x60: {  	_ =	shalt  }
0x61: {  	_ =	shalt  }
0x62: {  	_ =	shalt  }
0x63: {  	_ =	shalt  }
0x64: {  	_ =	shalt  }
0x65: {  	_ =	shalt  }
0x66: {  	_ =	shalt  }
0x67: {  	_ =	shalt  }
0x68: {  	_ =	shalt  }
0x69: {  	_ =	shalt  }
0x6a: {  	_ =	shalt  }
0x6b: {  	_ =	shalt  }
0x6c: {  	_ =	shalt  }
0x6d: {  	_ =	shalt  }
0x6e: {  	_ =	shalt  }
0x6f: {  	_ =	shalt  }
0x70: {  	_ =	shalt  }
0x71: {  	_ =	shalt  }
0x72: {  	_ =	shalt  }
0x73: {  	_ =	shalt  }
0x74: {  	_ =	shalt  }
0x75: {  	_ =	shalt  }
0x76: {  	_ =	shalt  }
0x77: {  	_ =	shalt  }
0x78: {  	_ =	shalt  }
0x79: {  	_ =	shalt  }
0x7a: {  	_ =	shalt  }
0x7b: {  	_ =	shalt  }
0x7c: {  	_ =	shalt  }
0x7d: {  	_ =	shalt  }
0x7e: {  	_ =	shalt  }
0x7f: {  	_ =	shalt  }
0x80: {  	_ =	shalt  }
0x81: {  	_ =	shalt  }
0x82: {  	_ =	shalt  }
0x83: {  	_ =	shalt  }
0x84: {  	_ =	shalt  }
0x85: {  	_ =	shalt  }
0x86: {  	_ =	shalt  }
0x87: {  	_ =	shalt  }
.Lfunc_end0:
.L_simem_size_0:
called_computation.1_lowered:
.L_overlay_start_0:
0x88: {  	s2 =	sld [smem:$0x3FD9]  }
0x89: {  	s3 =	sld [smem:$0x3FFE];
	_ =	sdelay $0x1  }
0x8a: {  	s1 =	srdreg.scid  }
0x8b: {  	s0 =	sand.u32 $0x1, s1  }
0x8c: {  	s16 =	sshll.u32 s0, $0xA;
	s2 =	sadd.s32 s3, s2  }
0x8d: {  	s2 =	sadd.s32 s2, s16  }
0x8e: {  	[smem:$0x3FBF] =	sst s2  }
0x8f: {  	_ = 	snop  }
0x90: {  	(tm) =	ssettm $0x1  }
0x91: {  	s17 =	sld [smem:$0x3FFB];
	_ =	sdelay $0x3  }
0x92: {  	_ =	strace s17  }
0x93: {  	s2 =	sld [smem:$0x3FFC];
	_ =	sdelay $0x3  }
0x94: {  	_ =	strace s2  }
0x95: {  	s2 =	sld [smem:$0x3FFD];
	_ =	sdelay $0x3  }
0x96: {  	_ =	strace s2  }
0x97: {  	_ =	strace $0x8FFFFFFF  }
0x98: {  	s18 =	sld [smem:$0x3FDB];
	_ =	sdelay $0x1  }
0x99: {  	s19 =	simm.s32 $_scs_section_size  }
0x9a: {  	s4 =	simm.s32 $_size__tile_overlayer_lowered;
	s5 =	simm.s32 $_tile_overlayer_lowered  }
0x9b: {  	s22 =	simm.s32 $0x1BFF;
	s21 =	sshll.u32 s5, $0x1;
	s2 =	sadd.s32 s19, s18  }
0x9c: {  	s6 =	simm.s32 $0x0;
	s20 =	sshll.u32 s4, $0x1;
	s4 =	sadd.s32 s21, s2  }
0x9d: {  	[timem:s6], [sflag:s22] =	dma.local [hbm:s4], s20  }
0x9e: {  	_ =	swait.ge [sflag:s22], s20  }
0x9f: {  	s3 =	ssub.s32 $0x0, s20;
	[sflag:s22] =	ssyncset.done $0x0  }
0xa0: {  	[sflag:s22] =	ssyncadd.s32 s3;
	_ =	sdelay $0x1  }
0xa1: {  	s23 =	simm.s32 $0x1B8B  }
0xa2: {  	_ =	swait.ge [sflag:s23], $0x1  }
0xa3: {  	[sflag:s23] =	ssyncset.done $0x0  }
0xa4: {  	s25 =	simm.s32 $0x1B8E;
	s24 =	sld [smem:$0x3FFE];
	[sflag:s23] =	ssyncadd.s32 $0xFFFFFFFF  }
0xa5: {  	s26 =	simm.s32 $execute0_lowered;
	[smem:$0x3FD2] =	sst s25  }
0xa6: {  	s4 =	sshll.u32 s26, $0x1;
	_ =	strace $0x80000049;
	[dreg:$0x1] =	wrdreg $0xFFFFFFFF  }
0xa7: {  	s28 =	simm.s32 $_size_execute0_lowered;
	s2 =	sadd.s32 s2, s4;
	[dreg:$0x0] =	wrdreg $0x0  }
0xa8: {  	s4 =	sshll.u32 s28, $0x1;
	[dreg:$0x2] =	wrdreg s2  }
0xa9: {  	[dreg:$0x3] =	wrdreg s4  }
0xaa: {  	[dreg:$0x4] =	wrdreg $0xC0  }
0xab: {  	_ =	task [dreg:s6], $0x5FFFF  }
0xac: {  	[dreg:$0x1] =	wrdreg $0xFFFFFFFF  }
0xad: {  	[dreg:$0x0] =	wrdreg $0x60  }
0xae: {  	[dreg:$0x2] =	wrdreg s24  }
0xaf: {  	[dreg:$0x3] =	wrdreg $0x120000  }
0xb0: {  	[dreg:$0x4] =	wrdreg $0x9  }
0xb1: {  	_ =	task.clear_ibuf [dreg:s6], $0x5FFFF;
	_ =	strace $0x90000049  }
0xb2: {  	s29 =	simm.s32 $0x9;
	_ =	strace $0x8000004B  }
0xb3: {  	_ =	swait.ge [sflag:s29], $0x1  }
0xb4: {  	[sflag:s29] =	ssyncadd.s32 $0xFFFFFFFF  }
0xb5: {  	_ =	strace $0x9000004B  }
0xb6: {  	_ =	sfence  }
0xb7: {  	s30 =	sld [smem:$0x0];
	_ =	sdelay $0x2  }
0xb8: {  	s31 =	sshll.u32 s1, $0xD;
	s1 =	sshrl.u32 s1, $0x2  }
0xb9: {  	s3 =	sand.u32 $0x4000, s31;
	s1 =	sadd.s32 s1, s30  }
0xba: {  	s0 =	sor.u32 s3, s0;
	s1 =	sshll.u32 s1, $0x11  }
0xbb: {  	s0 =	sor.u32 s1, s0  }
0xbc: {  	s0 =	sadd.s32 $0x8F2B, s0  }
0xbd: {  	[sflag:s0] =	ssyncadd.remote.s32 $0x1  }
0xbe: {  	_ =	sfence.sel $0xFFFF  }
0xbf: {  	[dreg:$0x0] =	wrdreg $0xFFFFFFFF;
	(pc) =	sbr.abs _section_cstart, $3  }
0xc0: {  	[dreg:$0x1] =	wrdreg $0xFFFFFFFF  }
0xc1: {  	_ =	task.clear_ibuf [dreg:s6], $0x2FFFF;
	_ =	strace $0x9FFFFFFF  }
0xc2: {  	(tm) =	ssettm $0x7FFFFFFF  }
0xc3: {  	_ =	shalt  }
tec
execute0_lowered:
.L_overlay_start_1:
0x0: {  	(tag) =	ssettag $0x1  }
0x1: {  	s5 =	rddreg [dreg:$0x0];
	s0 =	srdreg.scid  }
0x2: {  	s2 =	rddreg [dreg:$0x1];
	s1 =	stileid.u32;
	s3 =	simm.s32 $0x0  }
0x3: {  	s13 =	simm.s32 $0xA000;
	s14 =	simm.s32 $0x100;
	s15 =	simm.s32 $0xC000  }
0x4: {  	s16 =	simm.s32 $0x200;
	s17 =	simm.s32 $0xE000;
	s18 =	simm.s32 $0x300  }
0x5: {  	s19 =	simm.s32 $0x10000;
	s20 =	simm.s32 $0x1;
	s21 =	simm.s32 $0x2  }
0x6: {  	s22 =	simm.s32 $0x3;
	s23 =	simm.s32 $0x4;
	s24 =	simm.s32 $0x9C80  }
0x7: {  	s25 =	simm.s32 $0x9D80;
	s26 =	simm.s32 $0x9E80;
	s28 =	simm.s32 $0x9F80  }
0x8: {  	s29 =	simm.s32 $0x0;
	s4 =	sand.u32 $0x1, s0;
	s7 =	smul.u32 $0x9E00, s1  }
0x9: {  	[smem:$0x7FF] =	sst s3;
	s9 =	smul.u32 $0x1400, s1;
	s31 =	sshll.u32 s1, $0x6  }
0xa: {  	s6 =	smul.u32 $0x9E000, s4;
	_ =	strace $0x8000004A;
	s10 =	ssub.s32 $0x2, s4  }
0xb: {  	s4 =	sadd.s32 $0x3F600, s5;
	s9 =	sadd.s32 s9, s5;
	s30 =	sshrl.u32 s10, $0x1  }
0xc: {  	s12 =	sadd.s32 s7, s2;
	s8 =	sshrl.u32 s6, $0x3;
	s6 =	sadd.s32 s7, s6  }
0xd: {  	s10 =	ssub.s32 s10, s30;
	s8 =	sadd.s32 s8, s5;
	s6 =	sshrl.u32 s6, $0x3  }
0xe: {  	s11 =	sadd.s32 s6, s5;
	s5 =	sor.u32 $0x1C05, s31;
	s6 =	sadd.s32 $0x3E00, s9  }
0xf: {  	s7 =	sadd.s32 $0x17E00, s8;
	s9 =	smax.u32 s10, $0x1;
	s10 =	sshrl.u32 s12, $0x3  }
0x10: {  	s12 =	simm.s32 $0x80;
	s8 =	sadd.s32 $0x40A00, s11;
	s11 =	simm.s32 $0x5  }
.LBB2_1:
0x11: {  	[spmem:s10], [sflag:s5] =	dma.local [hbm:s4], $0x13C0  }
0x12: {  	_ =	swait.ge [sflag:s11], $0x13C0  }
0x13: {  	[sflag:s11] =	ssyncset.done $0x0  }
0x14: {  	[sflag:s11] =	ssyncadd.s32 $0xFFFFEC40  }
0x15: {  	[tilespmem:s3], [sflag:$0x5] =	stream.linear.gather [hbm4b:s6+s3], $0xA000, $0x38;
	[tilespmem:$0x1BE00] =	vst v63  }
0x16: {  	_ =	swait.ge [sflag:s11], $0xA000  }
0x17: {  	[sflag:s11] =	ssyncset.done $0x0  }
0x18: {  	[sflag:s11] =	ssyncadd.s32 $0xFFFF6000  }
0x19: {  	[bflag:$0x0] =	sbarrier.arrive $0xFFFF  }
0x1a: {  	[tilespmem:s13], [sflag:$0x1] =	stream.indirect.gather [hbm4b:s7+s12], $0x40, s3, s12, $0xb8;
	[tilespmem:$0x1BE00] =	vst v63  }
0x1b: {  	_ = 	snop  }
0x1c: {  	[tilespmem:s15], [sflag:$0x2] =	stream.indirect.gather [hbm4b:s7+s12], $0x40, s14, s12, $0xb8;
	[tilespmem:$0x1BE00] =	vst v63  }
0x1d: {  	_ = 	snop  }
0x1e: {  	[tilespmem:s17], [sflag:$0x3] =	stream.indirect.gather [hbm4b:s7+s12], $0x40, s16, s12, $0xb8;
	[tilespmem:$0x1BE00] =	vst v63  }
0x1f: {  	_ = 	snop  }
0x20: {  	[tilespmem:s19], [sflag:$0x4] =	stream.indirect.gather [hbm4b:s7+s12], $0x40, s18, s12, $0xb8;
	[tilespmem:$0x1BE00] =	vst v63  }
0x21: {  	_ =	swait.ge [sflag:s20], $0x2000  }
0x22: {  	[sflag:s20] =	ssyncset.done $0x0  }
0x23: {  	s30 =	simm.s32 $0x80;
	[sflag:s20] =	ssyncadd.s32 $0xFFFFE000  }
0x24: {  	[spmem:s2] =	stream.indirect.scatter.add.f32 [tilespmem:s13], [sflag:$0x5], $0x40, s30, s12, $0xb8;
	[tilespmem:$0x1BE00] =	vst v63  }
0x25: {  	_ =	swait.ge [sflag:s11], $0x2000  }
0x26: {  	[sflag:s11] =	ssyncset.done $0x0  }
0x27: {  	s30 =	simm.s32 $0x400;
	[sflag:s11] =	ssyncadd.s32 $0xFFFFE000  }
0x28: {  	[tilespmem:s13], [sflag:$0x1] =	stream.indirect.gather [hbm4b:s7+s12], $0x40, s30, s12, $0xb8;
	[tilespmem:$0x1BE00] =	vst v63  }
0x29: {  	_ =	swait.ge [sflag:s21], $0x2000  }
0x2a: {  	[sflag:s21] =	ssyncset.done $0x0  }
0x2b: {  	s30 =	simm.s32 $0x180;
	[sflag:s21] =	ssyncadd.s32 $0xFFFFE000  }
0x2c: {  	[spmem:s2] =	stream.indirect.scatter.add.f32 [tilespmem:s15], [sflag:$0x5], $0x40, s30, s12, $0xb8;
	[tilespmem:$0x1BE00] =	vst v63  }
0x2d: {  	_ =	swait.ge [sflag:s11], $0x2000  }
0x2e: {  	[sflag:s11] =	ssyncset.done $0x0  }
0x2f: {  	s30 =	simm.s32 $0x500;
	[sflag:s11] =	ssyncadd.s32 $0xFFFFE000  }
0x30: {  	[tilespmem:s15], [sflag:$0x2] =	stream.indirect.gather [hbm4b:s7+s12], $0x40, s30, s12, $0xb8;
	[tilespmem:$0x1BE00] =	vst v63  }
0x31: {  	_ =	swait.ge [sflag:s22], $0x2000  }
0x32: {  	[sflag:s22] =	ssyncset.done $0x0  }
0x33: {  	s30 =	simm.s32 $0x280;
	[sflag:s22] =	ssyncadd.s32 $0xFFFFE000  }
0x34: {  	[spmem:s2] =	stream.indirect.scatter.add.f32 [tilespmem:s17], [sflag:$0x5], $0x40, s30, s12, $0xb8;
	[tilespmem:$0x1BE00] =	vst v63  }
0x35: {  	_ =	swait.ge [sflag:s11], $0x2000  }
0x36: {  	[sflag:s11] =	ssyncset.done $0x0  }
0x37: {  	s30 =	simm.s32 $0x600;
	[sflag:s11] =	ssyncadd.s32 $0xFFFFE000  }
0x38: {  	[tilespmem:s17], [sflag:$0x3] =	stream.indirect.gather [hbm4b:s7+s12], $0x40, s30, s12, $0xb8;
	[tilespmem:$0x1BE00] =	vst v63  }
0x39: {  	_ =	swait.ge [sflag:s23], $0x2000  }
0x3a: {  	[sflag:s23] =	ssyncset.done $0x0  }
0x3b: {  	s30 =	simm.s32 $0x380;
	[sflag:s23] =	ssyncadd.s32 $0xFFFFE000  }
0x3c: {  	[spmem:s2] =	stream.indirect.scatter.add.f32 [tilespmem:s19], [sflag:$0x5], $0x40, s30, s12, $0xb8;
	[tilespmem:$0x1BE00] =	vst v63  }
0x3d: {  	_ =	swait.ge [sflag:s11], $0x2000  }
0x3e: {  	[sflag:s11] =	ssyncset.done $0x0  }
0x3f: {  	s31 =	simm.s32 $0x700;
	s30 =	simm.s32 $0x1000;
	[sflag:s11] =	ssyncadd.s32 $0xFFFFE000  }
.LBB2_2:
0x40: {  	[tilespmem:s19], [sflag:$0x4] =	stream.indirect.gather [hbm4b:s7+s12], $0x40, s31, s12, $0xb8;
	[tilespmem:$0x1BE00] =	vst v63  }
0x41: {  	s31 =	smov.u32 s30  }
0x42: {  	p0 =	sne.s32 s30, $0x26000;
	s30 =	sadd.s32 $0x1000, s30;
	_ =	swait.ge [sflag:s20], $0x2000  }
0x43: {  	s31 =	sshra.s32 s31, $0x2;
	[sflag:s20] =	ssyncset.done $0x0  }
0x44: {  	s0 =	sadd.s32 $0x80, s31;
	[sflag:s20] =	ssyncadd.s32 $0xFFFFE000  }
0x45: {  	[spmem:s2] =	stream.indirect.scatter.add.f32 [tilespmem:s13], [sflag:$0x5], $0x40, s0, s12, $0xb8;
	[tilespmem:$0x1BE00] =	vst v63  }
0x46: {  	_ =	swait.ge [sflag:s11], $0x2000  }
0x47: {  	[sflag:s11] =	ssyncset.done $0x0  }
0x48: {  	s0 =	sadd.s32 $0x400, s31;
	[sflag:s11] =	ssyncadd.s32 $0xFFFFE000  }
0x49: {  	[tilespmem:s13], [sflag:$0x1] =	stream.indirect.gather [hbm4b:s7+s12], $0x40, s0, s12, $0xb8;
	[tilespmem:$0x1BE00] =	vst v63  }
0x4a: {  	_ =	swait.ge [sflag:s21], $0x2000  }
0x4b: {  	[sflag:s21] =	ssyncset.done $0x0  }
0x4c: {  	s0 =	sadd.s32 $0x180, s31;
	[sflag:s21] =	ssyncadd.s32 $0xFFFFE000  }
0x4d: {  	[spmem:s2] =	stream.indirect.scatter.add.f32 [tilespmem:s15], [sflag:$0x5], $0x40, s0, s12, $0xb8;
	[tilespmem:$0x1BE00] =	vst v63  }
0x4e: {  	_ =	swait.ge [sflag:s11], $0x2000  }
0x4f: {  	[sflag:s11] =	ssyncset.done $0x0  }
0x50: {  	s0 =	sadd.s32 $0x500, s31;
	[sflag:s11] =	ssyncadd.s32 $0xFFFFE000  }
0x51: {  	[tilespmem:s15], [sflag:$0x2] =	stream.indirect.gather [hbm4b:s7+s12], $0x40, s0, s12, $0xb8;
	[tilespmem:$0x1BE00] =	vst v63  }
0x52: {  	_ =	swait.ge [sflag:s22], $0x2000  }
0x53: {  	[sflag:s22] =	ssyncset.done $0x0  }
0x54: {  	s0 =	sadd.s32 $0x280, s31;
	[sflag:s22] =	ssyncadd.s32 $0xFFFFE000  }
0x55: {  	[spmem:s2] =	stream.indirect.scatter.add.f32 [tilespmem:s17], [sflag:$0x5], $0x40, s0, s12, $0xb8;
	[tilespmem:$0x1BE00] =	vst v63  }
0x56: {  	_ =	swait.ge [sflag:s11], $0x2000  }
0x57: {  	[sflag:s11] =	ssyncset.done $0x0  }
0x58: {  	s0 =	sadd.s32 $0x600, s31;
	[sflag:s11] =	ssyncadd.s32 $0xFFFFE000  }
0x59: {  	[tilespmem:s17], [sflag:$0x3] =	stream.indirect.gather [hbm4b:s7+s12], $0x40, s0, s12, $0xb8;
	[tilespmem:$0x1BE00] =	vst v63  }
0x5a: {  	_ =	swait.ge [sflag:s23], $0x2000  }
0x5b: {  	[sflag:s23] =	ssyncset.done $0x0  }
.Ltmp0:
0x5c: {  	s0 =	sadd.s32 $0x380, s31;
	[sflag:s23] =	ssyncadd.s32 $0xFFFFE000;
	(pc) =	sbr.rel @p0 .LBB2_2-.Ltmp0, $4  }
0x5d: {  	[spmem:s2] =	stream.indirect.scatter.add.f32 [tilespmem:s19], [sflag:$0x5], $0x40, s0, s12, $0xb8;
	[tilespmem:$0x1BE00] =	vst v63  }
0x5e: {  	_ =	swait.ge [sflag:s11], $0x2000  }
0x5f: {  	[sflag:s11] =	ssyncset.done $0x0  }
0x60: {  	s31 =	sadd.s32 $0x700, s31;
	[sflag:s11] =	ssyncadd.s32 $0xFFFFE000  }
0x61: {  	[tilespmem:s19], [sflag:$0x4] =	stream.indirect.gather [hbm4b:s7+s12], $0x40, s31, s12, $0xb8;
	[tilespmem:$0x1BE00] =	vst v63  }
0x62: {  	_ =	swait.ge [sflag:s20], $0x2000  }
0x63: {  	[sflag:s20] =	ssyncset.done $0x0  }
0x64: {  	[sflag:s20] =	ssyncadd.s32 $0xFFFFE000  }
0x65: {  	[spmem:s2] =	stream.indirect.scatter.add.f32 [tilespmem:s13], [sflag:$0x5], $0x40, s24, s12, $0xb8;
	[tilespmem:$0x1BE00] =	vst v63  }
0x66: {  	_ =	swait.ge [sflag:s11], $0x2000  }
0x67: {  	[sflag:s11] =	ssyncset.done $0x0  }
0x68: {  	[sflag:s11] =	ssyncadd.s32 $0xFFFFE000  }
0x69: {  	_ =	swait.ge [sflag:s21], $0x2000  }
0x6a: {  	[sflag:s21] =	ssyncset.done $0x0  }
0x6b: {  	[sflag:s21] =	ssyncadd.s32 $0xFFFFE000  }
0x6c: {  	[spmem:s2] =	stream.indirect.scatter.add.f32 [tilespmem:s15], [sflag:$0x5], $0x40, s25, s12, $0xb8;
	[tilespmem:$0x1BE00] =	vst v63  }
0x6d: {  	_ =	swait.ge [sflag:s11], $0x2000  }
0x6e: {  	[sflag:s11] =	ssyncset.done $0x0  }
0x6f: {  	[sflag:s11] =	ssyncadd.s32 $0xFFFFE000  }
0x70: {  	_ =	swait.ge [sflag:s22], $0x2000  }
0x71: {  	[sflag:s22] =	ssyncset.done $0x0  }
0x72: {  	[sflag:s22] =	ssyncadd.s32 $0xFFFFE000  }
0x73: {  	[spmem:s2] =	stream.indirect.scatter.add.f32 [tilespmem:s17], [sflag:$0x5], $0x40, s26, s12, $0xb8;
	[tilespmem:$0x1BE00] =	vst v63  }
0x74: {  	_ =	swait.ge [sflag:s11], $0x2000  }
0x75: {  	[sflag:s11] =	ssyncset.done $0x0  }
0x76: {  	[sflag:s11] =	ssyncadd.s32 $0xFFFFE000  }
0x77: {  	_ =	swait.ge [sflag:s23], $0x2000  }
0x78: {  	[sflag:s23] =	ssyncset.done $0x0  }
0x79: {  	[sflag:s23] =	ssyncadd.s32 $0xFFFFE000  }
0x7a: {  	[spmem:s2] =	stream.indirect.scatter.add.f32 [tilespmem:s19], [sflag:$0x5], $0x40, s28, s12, $0xb8;
	[tilespmem:$0x1BE00] =	vst v63  }
0x7b: {  	_ =	swait.ge [sflag:s11], $0x2000  }
0x7c: {  	s29 =	sadd.s32 $0x1, s29;
	[sflag:s11] =	ssyncset.done $0x0  }
0x7d: {  	p0 =	sne.s32 s29, s9;
	[sflag:s11] =	ssyncadd.s32 $0xFFFFE000  }
.Ltmp1:
0x7e: {  	[bflag:$0x0] =	sbarrier.arrive $0xFFFF;
	(pc) =	sbr.rel @p0 .LBB2_1-.Ltmp1, $4  }
0x7f: {  	[hbm:s8], [sflag:s5] =	dma.local [spmem:s10], $0x13C0  }
0x80: {  	_ =	swait.ge [sflag:s11], $0x13C0  }
0x81: {  	[sflag:s11] =	ssyncset.done $0x0  }
0x82: {  	[sflag:s11] =	ssyncadd.s32 $0xFFFFEC40  }
0x83: {  	_ =	sfence.sel $0x180000  }
0x84: {  	[bflag:$0x0] =	sbarrier.arrive $0xFFFF  }
0x85: {  	_ =	strace $0x9000004A  }
0x86: {  	[bflag:$0x2] =	sbarrier.arrive $0xFFFF  }
0x87: {  	p0 =	sne.s32 s1, $0x0;
	s0 =	rddreg [dreg:$0x2]  }
0x88: {  	s0 =	sadd.s32 @!p0 $0x100000, s0  }
0x89: {  	[sflag:s0] =	ssyncadd.tile.s32 @!p0 $0x1;
	_ =	shalt  }
.Lfunc_end2:
_tile_overlayer_lowered:
.L_overlay_start_2:
0x8a: {  	(tag) =	ssettag $0x2  }
0x8b: {  	s0 =	rddreg [dreg:$0x0];
	s2 =	stileid.u32  }
0x8c: {  	s1 =	rddreg [dreg:$0x1];
	p0 =	sne.s32 s2, $0x0  }
0x8d: {  	s3 =	rddreg [dreg:$0x2];
	[bflag:$0x3] =	sbarrier.arrive $0xFFFF;
	s2 =	simm.s32 @!p0 $0x1C05  }
0x8e: {  	[timem:s3], [sflag:s2] =	dma.local @!p0 [hbm:s0], s1  }
0x8f: {  	s0 =	simm.s32 @!p0 $0x5  }
0x90: {  	_ =	swait.ge @!p0 [sflag:s0], s1  }
0x91: {  	s1 =	ssub.s32 @!p0 $0x0, s1;
	[sflag:s0] =	ssyncset.done @!p0 $0x0  }
0x92: {  	[sflag:s0] =	ssyncadd.s32 @!p0 s1  }
0x93: {  	[bflag:$0x3] =	sbarrier.arrive $0xFFFF  }
0x94: {  	_ =	shalt  }

// kernel: kernel.14.cloned.1.call-start
scs
__scs_entry_jumppad:
0x0: {  	(pc) =	sbr.rel $0x88, $3  }
0x1: {  	(tag) =	ssettag $0x0;
	lr =	simm.s32 $0x1  }
0x2: {  	[smem:$0x3F98] =	sst lr;
	_ =	strace $0xD0000000  }
0x3: {  	_ = 	snop  }
0x4: {  	_ = 	snop  }
0x5: {  	_ = 	snop  }
0x6: {  	_ = 	snop  }
0x7: {  	_ = 	snop  }
__scs_overlays_trampoline_lowered:
0x8: {  	[smem:$0x3FA7] =	sst s0  }
0x9: {  	[smem:$0x3FA8] =	sst s1  }
0xa: {  	[smem:$0x3FA9] =	sst s2  }
0xb: {  	[smem:$0x3FAA] =	sst s3  }
0xc: {  	[smem:$0x3FAB] =	sst s4  }
0xd: {  	[smem:$0x3FAC] =	sst s5  }
0xe: {  	[smem:$0x3FAD] =	sst s6  }
0xf: {  	[smem:$0x3FAE] =	sst s7  }
0x10: {  	[smem:$0x3FAF] =	sst s8  }
0x11: {  	[smem:$0x3FB0] =	sst s9;
	s0 =	simm.s32 @!p0 $0x0  }
0x12: {  	s1 =	sld [smem:$0x3F96];
	s0 =	simm.s32 @p0 $0x1  }
0x13: {  	[smem:$0x3FB1] =	sst s0;
	s0 =	simm.s32 @!p1 $0x0  }
0x14: {  	s2 =	sld [smem:$0x3F95];
	s0 =	simm.s32 @p1 $0x1  }
0x15: {  	[smem:$0x3FB2] =	sst s0;
	s0 =	simm.s32 @!p2 $0x0  }
0x16: {  	s3 =	sld [smem:$0x3FDB];
	s0 =	simm.s32 @p2 $0x1  }
0x17: {  	s4 =	simm.s32 $0x1BF5;
	[smem:$0x3FB4] =	sst s0  }
0x18: {  	s0 =	sld [smem:$0x3F97];
	_ =	swait.ge [sflag:s4], $0x0  }
0x19: {  	s7 =	sld [smem:$0x3F98]  }
0x1a: {  	s8 =	sadd.s32 $0xFFFFE003, lr  }
0x1b: {  	s9 =	sadd.s32 $0xFFFFFEF7, lr;
	s5 =	simm.s32 $0xFFFFFFFF;
	p2 =	slt.u32 s8, $0xFFFFF086  }
0x1c: {  	p1 =	slt.u32 s9, $0xF7A;
	s5 =	simm.s32 @!p2 $0x0  }
0x1d: {  	s5 =	simm.s32 @p1 $0x1;
	p0 =	seq.s32 s7, s2  }
0x1e: {  	s7 =	smul.u32 @!p0 $0xF7A, s2;
	p2 =	seq.s32 @!p0 s5, $0x0  }
0x1f: {  	s9 =	smul.u32 $0xF7A, s1;
	s8 =	simm.s32 @!p0 $0x1BF5;
	p2 =	por !p2, p0  }
0x20: {  	[sflag:s8] =	ssyncset.s32 @!p0 $0xFFFFF086;
	s6 =	sadd.s32 @!p0 s3, s7;
	s7 =	simm.s32 @!p0 $0x108  }
0x21: {  	s3 =	sadd.s32 s3, s9;
	s6 =	sadd.s32 @!p0 $0x88, s6;
	s7 =	simm.s32 @p2 $0x1082  }
0x22: {  	[simem:s7], [sflag:s8] =	dma.local @!p0 [hbm:s6], $0xF7A  }
0x23: {  	s9 =	sor.u32 $0xD0000000, s2;
	s6 =	simm.s32 $0x108;
	_ =	swait.ge @!p0 [sflag:s8], $0x0  }
0x24: {  	s3 =	sadd.s32 $0x88, s3;
	s6 =	simm.s32 @!p1 $0x1082;
	[sflag:s4] =	ssyncset.s32 $0xFFFFF086  }
0x25: {  	[simem:s6], [sflag:s4] =	dma.local [hbm:s3], $0xF7A  }
0x26: {  	[smem:$0x3F98] =	sst s1;
	(tag) =	ssettag s2;
	_ =	strace s9  }
0x27: {  	s1 =	sld [smem:$0x3FA8]  }
0x28: {  	s2 =	sld [smem:$0x3FA9]  }
0x29: {  	s4 =	sld [smem:$0x3FAB]  }
0x2a: {  	p0 =	seq.s32 s5, $0x0;
	s5 =	sld [smem:$0x3FAC]  }
0x2b: {  	s6 =	sld [smem:$0x3FAD]  }
0x2c: {  	s7 =	sld [smem:$0x3FAE]  }
0x2d: {  	s3 =	simm.s32 $0x108;
	s8 =	sld [smem:$0x3FAF]  }
0x2e: {  	s3 =	simm.s32 @!p0 $0x1082;
	s9 =	sld [smem:$0x3FB0]  }
0x2f: {  	lr =	sadd.s32 s0, s3;
	s0 =	sld [smem:$0x3FA7]  }
0x30: {  	s3 =	sld [smem:$0x3FAA]  }
0x31: {  	[smem:$0x3FB3] =	sst s10  }
0x32: {  	s10 =	sld [smem:$0x3FB1];
	_ =	sdelay $0x3  }
0x33: {  	p0 =	seq.s32 s10, $0x1;
	s10 =	sld [smem:$0x3FB3];
	_ =	sdelay $0x3  }
0x34: {  	[smem:$0x3FB3] =	sst s10  }
0x35: {  	s10 =	sld [smem:$0x3FB2];
	_ =	sdelay $0x3  }
0x36: {  	p1 =	seq.s32 s10, $0x1;
	s10 =	sld [smem:$0x3FB3];
	_ =	sdelay $0x3  }
0x37: {  	[smem:$0x3FB3] =	sst s10  }
0x38: {  	s10 =	sld [smem:$0x3FB4]  }
0x39: {  	_ = 	snop;
	(pc) =	sbr.ind lr, $3  }
0x3a: {  	_ = 	snop  }
0x3b: {  	_ = 	snop  }
0x3c: {  	p2 =	seq.s32 s10, $0x1;
	s10 =	sld [smem:$0x3FB3]  }
0x3d: {  	_ =	shalt  }
0x3e: {  	_ =	shalt  }
0x3f: {  	_ =	shalt  }
0x40: {  	_ =	shalt  }
0x41: {  	_ =	shalt  }
0x42: {  	_ =	shalt  }
0x43: {  	_ =	shalt  }
0x44: {  	_ =	shalt  }
0x45: {  	_ =	shalt  }
0x46: {  	_ =	shalt  }
0x47: {  	_ =	shalt  }
0x48: {  	_ =	shalt  }
0x49: {  	_ =	shalt  }
0x4a: {  	_ =	shalt  }
0x4b: {  	_ =	shalt  }
0x4c: {  	_ =	shalt  }
0x4d: {  	_ =	shalt  }
0x4e: {  	_ =	shalt  }
0x4f: {  	_ =	shalt  }
0x50: {  	_ =	shalt  }
0x51: {  	_ =	shalt  }
0x52: {  	_ =	shalt  }
0x53: {  	_ =	shalt  }
0x54: {  	_ =	shalt  }
0x55: {  	_ =	shalt  }
0x56: {  	_ =	shalt  }
0x57: {  	_ =	shalt  }
0x58: {  	_ =	shalt  }
0x59: {  	_ =	shalt  }
0x5a: {  	_ =	shalt  }
0x5b: {  	_ =	shalt  }
0x5c: {  	_ =	shalt  }
0x5d: {  	_ =	shalt  }
0x5e: {  	_ =	shalt  }
0x5f: {  	_ =	shalt  }
0x60: {  	_ =	shalt  }
0x61: {  	_ =	shalt  }
0x62: {  	_ =	shalt  }
0x63: {  	_ =	shalt  }
0x64: {  	_ =	shalt  }
0x65: {  	_ =	shalt  }
0x66: {  	_ =	shalt  }
0x67: {  	_ =	shalt  }
0x68: {  	_ =	shalt  }
0x69: {  	_ =	shalt  }
0x6a: {  	_ =	shalt  }
0x6b: {  	_ =	shalt  }
0x6c: {  	_ =	shalt  }
0x6d: {  	_ =	shalt  }
0x6e: {  	_ =	shalt  }
0x6f: {  	_ =	shalt  }
0x70: {  	_ =	shalt  }
0x71: {  	_ =	shalt  }
0x72: {  	_ =	shalt  }
0x73: {  	_ =	shalt  }
0x74: {  	_ =	shalt  }
0x75: {  	_ =	shalt  }
0x76: {  	_ =	shalt  }
0x77: {  	_ =	shalt  }
0x78: {  	_ =	shalt  }
0x79: {  	_ =	shalt  }
0x7a: {  	_ =	shalt  }
0x7b: {  	_ =	shalt  }
0x7c: {  	_ =	shalt  }
0x7d: {  	_ =	shalt  }
0x7e: {  	_ =	shalt  }
0x7f: {  	_ =	shalt  }
0x80: {  	_ =	shalt  }
0x81: {  	_ =	shalt  }
0x82: {  	_ =	shalt  }
0x83: {  	_ =	shalt  }
0x84: {  	_ =	shalt  }
0x85: {  	_ =	shalt  }
0x86: {  	_ =	shalt  }
0x87: {  	_ =	shalt  }
.Lfunc_end0:
.L_simem_size_0:
called_computation.2_lowered:
.L_overlay_start_0:
0x88: {  	s2 =	sld [smem:$0x3FD9]  }
0x89: {  	s3 =	sld [smem:$0x3FFE];
	_ =	sdelay $0x1  }
0x8a: {  	s1 =	srdreg.scid  }
0x8b: {  	s0 =	sand.u32 $0x1, s1  }
0x8c: {  	s16 =	sshll.u32 s0, $0xA;
	s2 =	sadd.s32 s3, s2  }
0x8d: {  	s2 =	sadd.s32 s2, s16  }
0x8e: {  	[smem:$0x3FBF] =	sst s2  }
0x8f: {  	_ = 	snop  }
0x90: {  	(tm) =	ssettm $0x1  }
0x91: {  	s17 =	sld [smem:$0x3FFB];
	_ =	sdelay $0x3  }
0x92: {  	_ =	strace s17  }
0x93: {  	s2 =	sld [smem:$0x3FFC];
	_ =	sdelay $0x3  }
0x94: {  	_ =	strace s2  }
0x95: {  	s2 =	sld [smem:$0x3FFD];
	_ =	sdelay $0x3  }
0x96: {  	_ =	strace s2  }
0x97: {  	_ =	strace $0x8FFFFFFF  }
0x98: {  	s18 =	sld [smem:$0x3FDB];
	_ =	sdelay $0x1  }
0x99: {  	s19 =	simm.s32 $_scs_section_size  }
0x9a: {  	s4 =	simm.s32 $_size__tile_overlayer_lowered;
	s5 =	simm.s32 $_tile_overlayer_lowered  }
0x9b: {  	s22 =	simm.s32 $0x1BFF;
	s21 =	sshll.u32 s5, $0x1;
	s2 =	sadd.s32 s19, s18  }
0x9c: {  	s6 =	simm.s32 $0x0;
	s20 =	sshll.u32 s4, $0x1;
	s4 =	sadd.s32 s21, s2  }
0x9d: {  	[timem:s6], [sflag:s22] =	dma.local [hbm:s4], s20  }
0x9e: {  	_ =	swait.ge [sflag:s22], s20  }
0x9f: {  	s3 =	ssub.s32 $0x0, s20;
	[sflag:s22] =	ssyncset.done $0x0  }
0xa0: {  	[sflag:s22] =	ssyncadd.s32 s3;
	_ =	sdelay $0x1  }
0xa1: {  	s23 =	simm.s32 $0x1B8B  }
0xa2: {  	_ =	swait.ge [sflag:s23], $0x1  }
0xa3: {  	[sflag:s23] =	ssyncset.done $0x0  }
0xa4: {  	s25 =	simm.s32 $0x1B8E;
	s24 =	sld [smem:$0x3FFE];
	[sflag:s23] =	ssyncadd.s32 $0xFFFFFFFF  }
0xa5: {  	s26 =	simm.s32 $execute0_lowered;
	[smem:$0x3FD2] =	sst s25  }
0xa6: {  	s4 =	sshll.u32 s26, $0x1;
	_ =	strace $0x8000004C;
	[dreg:$0x1] =	wrdreg $0xFFFFFFFF  }
0xa7: {  	s28 =	simm.s32 $_size_execute0_lowered;
	s2 =	sadd.s32 s2, s4;
	[dreg:$0x0] =	wrdreg $0x0  }
0xa8: {  	s4 =	sshll.u32 s28, $0x1;
	[dreg:$0x2] =	wrdreg s2  }
0xa9: {  	[dreg:$0x3] =	wrdreg s4  }
0xaa: {  	[dreg:$0x4] =	wrdreg $0xC0  }
0xab: {  	_ =	task [dreg:s6], $0x5FFFF  }
0xac: {  	[dreg:$0x1] =	wrdreg $0xFFFFFFFF  }
0xad: {  	[dreg:$0x0] =	wrdreg $0x60  }
0xae: {  	[dreg:$0x2] =	wrdreg s24  }
0xaf: {  	[dreg:$0x3] =	wrdreg $0x120000  }
0xb0: {  	[dreg:$0x4] =	wrdreg $0x9  }
0xb1: {  	_ =	task.clear_ibuf [dreg:s6], $0x5FFFF;
	_ =	strace $0x9000004C  }
0xb2: {  	s29 =	simm.s32 $0x9;
	_ =	strace $0x8000004E  }
0xb3: {  	_ =	swait.ge [sflag:s29], $0x1  }
0xb4: {  	[sflag:s29] =	ssyncadd.s32 $0xFFFFFFFF  }
0xb5: {  	_ =	strace $0x9000004E  }
0xb6: {  	_ =	sfence  }
0xb7: {  	s30 =	sld [smem:$0x0];
	_ =	sdelay $0x2  }
0xb8: {  	s31 =	sshll.u32 s1, $0xD;
	s1 =	sshrl.u32 s1, $0x2  }
0xb9: {  	s3 =	sand.u32 $0x4000, s31;
	s1 =	sadd.s32 s1, s30  }
0xba: {  	s0 =	sor.u32 s3, s0;
	s1 =	sshll.u32 s1, $0x11  }
0xbb: {  	s0 =	sor.u32 s1, s0  }
0xbc: {  	s0 =	sadd.s32 $0x8F2B, s0  }
0xbd: {  	[sflag:s0] =	ssyncadd.remote.s32 $0x1  }
0xbe: {  	_ =	sfence.sel $0xFFFF  }
0xbf: {  	[dreg:$0x0] =	wrdreg $0xFFFFFFFF;
	(pc) =	sbr.abs _section_cstart, $3  }
0xc0: {  	[dreg:$0x1] =	wrdreg $0xFFFFFFFF  }
0xc1: {  	_ =	task.clear_ibuf [dreg:s6], $0x2FFFF;
	_ =	strace $0x9FFFFFFF  }
0xc2: {  	(tm) =	ssettm $0x7FFFFFFF  }
0xc3: {  	_ =	shalt  }
tec
execute0_lowered:
.L_overlay_start_1:
0x0: {  	(tag) =	ssettag $0x1  }
0x1: {  	s5 =	rddreg [dreg:$0x0];
	s0 =	srdreg.scid  }
0x2: {  	s2 =	rddreg [dreg:$0x1];
	s1 =	stileid.u32;
	s3 =	simm.s32 $0x0  }
0x3: {  	s13 =	simm.s32 $0xA000;
	s14 =	simm.s32 $0x100;
	s15 =	simm.s32 $0xC000  }
0x4: {  	s16 =	simm.s32 $0x200;
	s17 =	simm.s32 $0xE000;
	s18 =	simm.s32 $0x300  }
0x5: {  	s19 =	simm.s32 $0x10000;
	s20 =	simm.s32 $0x1;
	s21 =	simm.s32 $0x2  }
0x6: {  	s22 =	simm.s32 $0x3;
	s23 =	simm.s32 $0x4;
	s24 =	simm.s32 $0x9C80  }
0x7: {  	s25 =	simm.s32 $0x9D80;
	s26 =	simm.s32 $0x9E80;
	s28 =	simm.s32 $0x9F80  }
0x8: {  	s29 =	simm.s32 $0x0;
	s4 =	sand.u32 $0x1, s0;
	s7 =	smul.u32 $0x9E00, s1  }
0x9: {  	[smem:$0x7FF] =	sst s3;
	s9 =	smul.u32 $0x1400, s1;
	s31 =	sshll.u32 s1, $0x6  }
0xa: {  	s6 =	smul.u32 $0x9E000, s4;
	_ =	strace $0x8000004D;
	s10 =	ssub.s32 $0x2, s4  }
0xb: {  	s4 =	sadd.s32 $0x3F600, s5;
	s9 =	sadd.s32 s9, s5;
	s30 =	sshrl.u32 s10, $0x1  }
0xc: {  	s12 =	sadd.s32 s7, s2;
	s8 =	sshrl.u32 s6, $0x3;
	s6 =	sadd.s32 s7, s6  }
0xd: {  	s10 =	ssub.s32 s10, s30;
	s8 =	sadd.s32 s8, s5;
	s6 =	sshrl.u32 s6, $0x3  }
0xe: {  	s11 =	sadd.s32 s6, s5;
	s5 =	sor.u32 $0x1C05, s31;
	s6 =	sadd.s32 $0x3E00, s9  }
0xf: {  	s7 =	sadd.s32 $0x17E00, s8;
	s9 =	smax.u32 s10, $0x1;
	s10 =	sshrl.u32 s12, $0x3  }
0x10: {  	s12 =	simm.s32 $0x80;
	s8 =	sadd.s32 $0x40A00, s11;
	s11 =	simm.s32 $0x5  }
.LBB2_1:
0x11: {  	[spmem:s10], [sflag:s5] =	dma.local [hbm:s4], $0x13C0  }
0x12: {  	_ =	swait.ge [sflag:s11], $0x13C0  }
0x13: {  	[sflag:s11] =	ssyncset.done $0x0  }
0x14: {  	[sflag:s11] =	ssyncadd.s32 $0xFFFFEC40  }
0x15: {  	[tilespmem:s3], [sflag:$0x5] =	stream.linear.gather [hbm4b:s6+s3], $0xA000, $0x38;
	[tilespmem:$0x1BE00] =	vst v63  }
0x16: {  	_ =	swait.ge [sflag:s11], $0xA000  }
0x17: {  	[sflag:s11] =	ssyncset.done $0x0  }
0x18: {  	[sflag:s11] =	ssyncadd.s32 $0xFFFF6000  }
0x19: {  	[bflag:$0x0] =	sbarrier.arrive $0xFFFF  }
0x1a: {  	[tilespmem:s13], [sflag:$0x1] =	stream.indirect.gather [hbm4b:s7+s12], $0x40, s3, s12, $0xb8;
	[tilespmem:$0x1BE00] =	vst v63  }
0x1b: {  	_ = 	snop  }
0x1c: {  	[tilespmem:s15], [sflag:$0x2] =	stream.indirect.gather [hbm4b:s7+s12], $0x40, s14, s12, $0xb8;
	[tilespmem:$0x1BE00] =	vst v63  }
0x1d: {  	_ = 	snop  }
0x1e: {  	[tilespmem:s17], [sflag:$0x3] =	stream.indirect.gather [hbm4b:s7+s12], $0x40, s16, s12, $0xb8;
	[tilespmem:$0x1BE00] =	vst v63  }
0x1f: {  	_ = 	snop  }
0x20: {  	[tilespmem:s19], [sflag:$0x4] =	stream.indirect.gather [hbm4b:s7+s12], $0x40, s18, s12, $0xb8;
	[tilespmem:$0x1BE00] =	vst v63  }
0x21: {  	_ =	swait.ge [sflag:s20], $0x2000  }
0x22: {  	[sflag:s20] =	ssyncset.done $0x0  }
0x23: {  	s30 =	simm.s32 $0x80;
	[sflag:s20] =	ssyncadd.s32 $0xFFFFE000  }
0x24: {  	[spmem:s2] =	stream.indirect.scatter.add.f32 [tilespmem:s13], [sflag:$0x5], $0x40, s30, s12, $0xb8;
	[tilespmem:$0x1BE00] =	vst v63  }
0x25: {  	_ =	swait.ge [sflag:s11], $0x2000  }
0x26: {  	[sflag:s11] =	ssyncset.done $0x0  }
0x27: {  	s30 =	simm.s32 $0x400;
	[sflag:s11] =	ssyncadd.s32 $0xFFFFE000  }
0x28: {  	[tilespmem:s13], [sflag:$0x1] =	stream.indirect.gather [hbm4b:s7+s12], $0x40, s30, s12, $0xb8;
	[tilespmem:$0x1BE00] =	vst v63  }
0x29: {  	_ =	swait.ge [sflag:s21], $0x2000  }
0x2a: {  	[sflag:s21] =	ssyncset.done $0x0  }
0x2b: {  	s30 =	simm.s32 $0x180;
	[sflag:s21] =	ssyncadd.s32 $0xFFFFE000  }
0x2c: {  	[spmem:s2] =	stream.indirect.scatter.add.f32 [tilespmem:s15], [sflag:$0x5], $0x40, s30, s12, $0xb8;
	[tilespmem:$0x1BE00] =	vst v63  }
0x2d: {  	_ =	swait.ge [sflag:s11], $0x2000  }
0x2e: {  	[sflag:s11] =	ssyncset.done $0x0  }
0x2f: {  	s30 =	simm.s32 $0x500;
	[sflag:s11] =	ssyncadd.s32 $0xFFFFE000  }
0x30: {  	[tilespmem:s15], [sflag:$0x2] =	stream.indirect.gather [hbm4b:s7+s12], $0x40, s30, s12, $0xb8;
	[tilespmem:$0x1BE00] =	vst v63  }
0x31: {  	_ =	swait.ge [sflag:s22], $0x2000  }
0x32: {  	[sflag:s22] =	ssyncset.done $0x0  }
0x33: {  	s30 =	simm.s32 $0x280;
	[sflag:s22] =	ssyncadd.s32 $0xFFFFE000  }
0x34: {  	[spmem:s2] =	stream.indirect.scatter.add.f32 [tilespmem:s17], [sflag:$0x5], $0x40, s30, s12, $0xb8;
	[tilespmem:$0x1BE00] =	vst v63  }
0x35: {  	_ =	swait.ge [sflag:s11], $0x2000  }
0x36: {  	[sflag:s11] =	ssyncset.done $0x0  }
0x37: {  	s30 =	simm.s32 $0x600;
	[sflag:s11] =	ssyncadd.s32 $0xFFFFE000  }
0x38: {  	[tilespmem:s17], [sflag:$0x3] =	stream.indirect.gather [hbm4b:s7+s12], $0x40, s30, s12, $0xb8;
	[tilespmem:$0x1BE00] =	vst v63  }
0x39: {  	_ =	swait.ge [sflag:s23], $0x2000  }
0x3a: {  	[sflag:s23] =	ssyncset.done $0x0  }
0x3b: {  	s30 =	simm.s32 $0x380;
	[sflag:s23] =	ssyncadd.s32 $0xFFFFE000  }
0x3c: {  	[spmem:s2] =	stream.indirect.scatter.add.f32 [tilespmem:s19], [sflag:$0x5], $0x40, s30, s12, $0xb8;
	[tilespmem:$0x1BE00] =	vst v63  }
0x3d: {  	_ =	swait.ge [sflag:s11], $0x2000  }
0x3e: {  	[sflag:s11] =	ssyncset.done $0x0  }
0x3f: {  	s31 =	simm.s32 $0x700;
	s30 =	simm.s32 $0x1000;
	[sflag:s11] =	ssyncadd.s32 $0xFFFFE000  }
.LBB2_2:
0x40: {  	[tilespmem:s19], [sflag:$0x4] =	stream.indirect.gather [hbm4b:s7+s12], $0x40, s31, s12, $0xb8;
	[tilespmem:$0x1BE00] =	vst v63  }
0x41: {  	s31 =	smov.u32 s30  }
0x42: {  	p0 =	sne.s32 s30, $0x26000;
	s30 =	sadd.s32 $0x1000, s30;
	_ =	swait.ge [sflag:s20], $0x2000  }
0x43: {  	s31 =	sshra.s32 s31, $0x2;
	[sflag:s20] =	ssyncset.done $0x0  }
0x44: {  	s0 =	sadd.s32 $0x80, s31;
	[sflag:s20] =	ssyncadd.s32 $0xFFFFE000  }
0x45: {  	[spmem:s2] =	stream.indirect.scatter.add.f32 [tilespmem:s13], [sflag:$0x5], $0x40, s0, s12, $0xb8;
	[tilespmem:$0x1BE00] =	vst v63  }
0x46: {  	_ =	swait.ge [sflag:s11], $0x2000  }
0x47: {  	[sflag:s11] =	ssyncset.done $0x0  }
0x48: {  	s0 =	sadd.s32 $0x400, s31;
	[sflag:s11] =	ssyncadd.s32 $0xFFFFE000  }
0x49: {  	[tilespmem:s13], [sflag:$0x1] =	stream.indirect.gather [hbm4b:s7+s12], $0x40, s0, s12, $0xb8;
	[tilespmem:$0x1BE00] =	vst v63  }
0x4a: {  	_ =	swait.ge [sflag:s21], $0x2000  }
0x4b: {  	[sflag:s21] =	ssyncset.done $0x0  }
0x4c: {  	s0 =	sadd.s32 $0x180, s31;
	[sflag:s21] =	ssyncadd.s32 $0xFFFFE000  }
0x4d: {  	[spmem:s2] =	stream.indirect.scatter.add.f32 [tilespmem:s15], [sflag:$0x5], $0x40, s0, s12, $0xb8;
	[tilespmem:$0x1BE00] =	vst v63  }
0x4e: {  	_ =	swait.ge [sflag:s11], $0x2000  }
0x4f: {  	[sflag:s11] =	ssyncset.done $0x0  }
0x50: {  	s0 =	sadd.s32 $0x500, s31;
	[sflag:s11] =	ssyncadd.s32 $0xFFFFE000  }
0x51: {  	[tilespmem:s15], [sflag:$0x2] =	stream.indirect.gather [hbm4b:s7+s12], $0x40, s0, s12, $0xb8;
	[tilespmem:$0x1BE00] =	vst v63  }
0x52: {  	_ =	swait.ge [sflag:s22], $0x2000  }
0x53: {  	[sflag:s22] =	ssyncset.done $0x0  }
0x54: {  	s0 =	sadd.s32 $0x280, s31;
	[sflag:s22] =	ssyncadd.s32 $0xFFFFE000  }
0x55: {  	[spmem:s2] =	stream.indirect.scatter.add.f32 [tilespmem:s17], [sflag:$0x5], $0x40, s0, s12, $0xb8;
	[tilespmem:$0x1BE00] =	vst v63  }
0x56: {  	_ =	swait.ge [sflag:s11], $0x2000  }
0x57: {  	[sflag:s11] =	ssyncset.done $0x0  }
0x58: {  	s0 =	sadd.s32 $0x600, s31;
	[sflag:s11] =	ssyncadd.s32 $0xFFFFE000  }
0x59: {  	[tilespmem:s17], [sflag:$0x3] =	stream.indirect.gather [hbm4b:s7+s12], $0x40, s0, s12, $0xb8;
	[tilespmem:$0x1BE00] =	vst v63  }
0x5a: {  	_ =	swait.ge [sflag:s23], $0x2000  }
0x5b: {  	[sflag:s23] =	ssyncset.done $0x0  }
.Ltmp0:
0x5c: {  	s0 =	sadd.s32 $0x380, s31;
	[sflag:s23] =	ssyncadd.s32 $0xFFFFE000;
	(pc) =	sbr.rel @p0 .LBB2_2-.Ltmp0, $4  }
0x5d: {  	[spmem:s2] =	stream.indirect.scatter.add.f32 [tilespmem:s19], [sflag:$0x5], $0x40, s0, s12, $0xb8;
	[tilespmem:$0x1BE00] =	vst v63  }
0x5e: {  	_ =	swait.ge [sflag:s11], $0x2000  }
0x5f: {  	[sflag:s11] =	ssyncset.done $0x0  }
0x60: {  	s31 =	sadd.s32 $0x700, s31;
	[sflag:s11] =	ssyncadd.s32 $0xFFFFE000  }
0x61: {  	[tilespmem:s19], [sflag:$0x4] =	stream.indirect.gather [hbm4b:s7+s12], $0x40, s31, s12, $0xb8;
	[tilespmem:$0x1BE00] =	vst v63  }
0x62: {  	_ =	swait.ge [sflag:s20], $0x2000  }
0x63: {  	[sflag:s20] =	ssyncset.done $0x0  }
0x64: {  	[sflag:s20] =	ssyncadd.s32 $0xFFFFE000  }
0x65: {  	[spmem:s2] =	stream.indirect.scatter.add.f32 [tilespmem:s13], [sflag:$0x5], $0x40, s24, s12, $0xb8;
	[tilespmem:$0x1BE00] =	vst v63  }
0x66: {  	_ =	swait.ge [sflag:s11], $0x2000  }
0x67: {  	[sflag:s11] =	ssyncset.done $0x0  }
0x68: {  	[sflag:s11] =	ssyncadd.s32 $0xFFFFE000  }
0x69: {  	_ =	swait.ge [sflag:s21], $0x2000  }
0x6a: {  	[sflag:s21] =	ssyncset.done $0x0  }
0x6b: {  	[sflag:s21] =	ssyncadd.s32 $0xFFFFE000  }
0x6c: {  	[spmem:s2] =	stream.indirect.scatter.add.f32 [tilespmem:s15], [sflag:$0x5], $0x40, s25, s12, $0xb8;
	[tilespmem:$0x1BE00] =	vst v63  }
0x6d: {  	_ =	swait.ge [sflag:s11], $0x2000  }
0x6e: {  	[sflag:s11] =	ssyncset.done $0x0  }
0x6f: {  	[sflag:s11] =	ssyncadd.s32 $0xFFFFE000  }
0x70: {  	_ =	swait.ge [sflag:s22], $0x2000  }
0x71: {  	[sflag:s22] =	ssyncset.done $0x0  }
0x72: {  	[sflag:s22] =	ssyncadd.s32 $0xFFFFE000  }
0x73: {  	[spmem:s2] =	stream.indirect.scatter.add.f32 [tilespmem:s17], [sflag:$0x5], $0x40, s26, s12, $0xb8;
	[tilespmem:$0x1BE00] =	vst v63  }
0x74: {  	_ =	swait.ge [sflag:s11], $0x2000  }
0x75: {  	[sflag:s11] =	ssyncset.done $0x0  }
0x76: {  	[sflag:s11] =	ssyncadd.s32 $0xFFFFE000  }
0x77: {  	_ =	swait.ge [sflag:s23], $0x2000  }
0x78: {  	[sflag:s23] =	ssyncset.done $0x0  }
0x79: {  	[sflag:s23] =	ssyncadd.s32 $0xFFFFE000  }
0x7a: {  	[spmem:s2] =	stream.indirect.scatter.add.f32 [tilespmem:s19], [sflag:$0x5], $0x40, s28, s12, $0xb8;
	[tilespmem:$0x1BE00] =	vst v63  }
0x7b: {  	_ =	swait.ge [sflag:s11], $0x2000  }
0x7c: {  	s29 =	sadd.s32 $0x1, s29;
	[sflag:s11] =	ssyncset.done $0x0  }
0x7d: {  	p0 =	sne.s32 s29, s9;
	[sflag:s11] =	ssyncadd.s32 $0xFFFFE000  }
.Ltmp1:
0x7e: {  	[bflag:$0x0] =	sbarrier.arrive $0xFFFF;
	(pc) =	sbr.rel @p0 .LBB2_1-.Ltmp1, $4  }
0x7f: {  	[hbm:s8], [sflag:s5] =	dma.local [spmem:s10], $0x13C0  }
0x80: {  	_ =	swait.ge [sflag:s11], $0x13C0  }
0x81: {  	[sflag:s11] =	ssyncset.done $0x0  }
0x82: {  	[sflag:s11] =	ssyncadd.s32 $0xFFFFEC40  }
0x83: {  	_ =	sfence.sel $0x180000  }
0x84: {  	[bflag:$0x0] =	sbarrier.arrive $0xFFFF  }
0x85: {  	_ =	strace $0x9000004D  }
0x86: {  	[bflag:$0x2] =	sbarrier.arrive $0xFFFF  }
0x87: {  	p0 =	sne.s32 s1, $0x0;
	s0 =	rddreg [dreg:$0x2]  }
0x88: {  	s0 =	sadd.s32 @!p0 $0x100000, s0  }
0x89: {  	[sflag:s0] =	ssyncadd.tile.s32 @!p0 $0x1;
	_ =	shalt  }
.Lfunc_end2:
_tile_overlayer_lowered:
.L_overlay_start_2:
0x8a: {  	(tag) =	ssettag $0x2  }
0x8b: {  	s0 =	rddreg [dreg:$0x0];
	s2 =	stileid.u32  }
0x8c: {  	s1 =	rddreg [dreg:$0x1];
	p0 =	sne.s32 s2, $0x0  }
0x8d: {  	s3 =	rddreg [dreg:$0x2];
	[bflag:$0x3] =	sbarrier.arrive $0xFFFF;
	s2 =	simm.s32 @!p0 $0x1C05  }
0x8e: {  	[timem:s3], [sflag:s2] =	dma.local @!p0 [hbm:s0], s1  }
0x8f: {  	s0 =	simm.s32 @!p0 $0x5  }
0x90: {  	_ =	swait.ge @!p0 [sflag:s0], s1  }
0x91: {  	s1 =	ssub.s32 @!p0 $0x0, s1;
	[sflag:s0] =	ssyncset.done @!p0 $0x0  }
0x92: {  	[sflag:s0] =	ssyncadd.s32 @!p0 s1  }
0x93: {  	[bflag:$0x3] =	sbarrier.arrive $0xFFFF  }
0x94: {  	_ =	shalt  }

// kernel: kernel.8.cloned.1.call-start
scs
__scs_entry_jumppad:
0x0: {  	(pc) =	sbr.rel $0x88, $3  }
0x1: {  	(tag) =	ssettag $0x0;
	lr =	simm.s32 $0x1  }
0x2: {  	[smem:$0x3F98] =	sst lr;
	_ =	strace $0xD0000000  }
0x3: {  	_ = 	snop  }
0x4: {  	_ = 	snop  }
0x5: {  	_ = 	snop  }
0x6: {  	_ = 	snop  }
0x7: {  	_ = 	snop  }
__scs_overlays_trampoline_lowered:
0x8: {  	[smem:$0x3FA7] =	sst s0  }
0x9: {  	[smem:$0x3FA8] =	sst s1  }
0xa: {  	[smem:$0x3FA9] =	sst s2  }
0xb: {  	[smem:$0x3FAA] =	sst s3  }
0xc: {  	[smem:$0x3FAB] =	sst s4  }
0xd: {  	[smem:$0x3FAC] =	sst s5  }
0xe: {  	[smem:$0x3FAD] =	sst s6  }
0xf: {  	[smem:$0x3FAE] =	sst s7  }
0x10: {  	[smem:$0x3FAF] =	sst s8  }
0x11: {  	[smem:$0x3FB0] =	sst s9;
	s0 =	simm.s32 @!p0 $0x0  }
0x12: {  	s1 =	sld [smem:$0x3F96];
	s0 =	simm.s32 @p0 $0x1  }
0x13: {  	[smem:$0x3FB1] =	sst s0;
	s0 =	simm.s32 @!p1 $0x0  }
0x14: {  	s2 =	sld [smem:$0x3F95];
	s0 =	simm.s32 @p1 $0x1  }
0x15: {  	[smem:$0x3FB2] =	sst s0;
	s0 =	simm.s32 @!p2 $0x0  }
0x16: {  	s3 =	sld [smem:$0x3FDB];
	s0 =	simm.s32 @p2 $0x1  }
0x17: {  	s4 =	simm.s32 $0x1BF5;
	[smem:$0x3FB4] =	sst s0  }
0x18: {  	s0 =	sld [smem:$0x3F97];
	_ =	swait.ge [sflag:s4], $0x0  }
0x19: {  	s7 =	sld [smem:$0x3F98]  }
0x1a: {  	s8 =	sadd.s32 $0xFFFFE003, lr  }
0x1b: {  	s9 =	sadd.s32 $0xFFFFFEF7, lr;
	s5 =	simm.s32 $0xFFFFFFFF;
	p2 =	slt.u32 s8, $0xFFFFF086  }
0x1c: {  	p1 =	slt.u32 s9, $0xF7A;
	s5 =	simm.s32 @!p2 $0x0  }
0x1d: {  	s5 =	simm.s32 @p1 $0x1;
	p0 =	seq.s32 s7, s2  }
0x1e: {  	s7 =	smul.u32 @!p0 $0xF7A, s2;
	p2 =	seq.s32 @!p0 s5, $0x0  }
0x1f: {  	s9 =	smul.u32 $0xF7A, s1;
	s8 =	simm.s32 @!p0 $0x1BF5;
	p2 =	por !p2, p0  }
0x20: {  	[sflag:s8] =	ssyncset.s32 @!p0 $0xFFFFF086;
	s6 =	sadd.s32 @!p0 s3, s7;
	s7 =	simm.s32 @!p0 $0x108  }
0x21: {  	s3 =	sadd.s32 s3, s9;
	s6 =	sadd.s32 @!p0 $0x88, s6;
	s7 =	simm.s32 @p2 $0x1082  }
0x22: {  	[simem:s7], [sflag:s8] =	dma.local @!p0 [hbm:s6], $0xF7A  }
0x23: {  	s9 =	sor.u32 $0xD0000000, s2;
	s6 =	simm.s32 $0x108;
	_ =	swait.ge @!p0 [sflag:s8], $0x0  }
0x24: {  	s3 =	sadd.s32 $0x88, s3;
	s6 =	simm.s32 @!p1 $0x1082;
	[sflag:s4] =	ssyncset.s32 $0xFFFFF086  }
0x25: {  	[simem:s6], [sflag:s4] =	dma.local [hbm:s3], $0xF7A  }
0x26: {  	[smem:$0x3F98] =	sst s1;
	(tag) =	ssettag s2;
	_ =	strace s9  }
0x27: {  	s1 =	sld [smem:$0x3FA8]  }
0x28: {  	s2 =	sld [smem:$0x3FA9]  }
0x29: {  	s4 =	sld [smem:$0x3FAB]  }
0x2a: {  	p0 =	seq.s32 s5, $0x0;
	s5 =	sld [smem:$0x3FAC]  }
0x2b: {  	s6 =	sld [smem:$0x3FAD]  }
0x2c: {  	s7 =	sld [smem:$0x3FAE]  }
0x2d: {  	s3 =	simm.s32 $0x108;
	s8 =	sld [smem:$0x3FAF]  }
0x2e: {  	s3 =	simm.s32 @!p0 $0x1082;
	s9 =	sld [smem:$0x3FB0]  }
0x2f: {  	lr =	sadd.s32 s0, s3;
	s0 =	sld [smem:$0x3FA7]  }
0x30: {  	s3 =	sld [smem:$0x3FAA]  }
0x31: {  	[smem:$0x3FB3] =	sst s10  }
0x32: {  	s10 =	sld [smem:$0x3FB1];
	_ =	sdelay $0x3  }
0x33: {  	p0 =	seq.s32 s10, $0x1;
	s10 =	sld [smem:$0x3FB3];
	_ =	sdelay $0x3  }
0x34: {  	[smem:$0x3FB3] =	sst s10  }
0x35: {  	s10 =	sld [smem:$0x3FB2];
	_ =	sdelay $0x3  }
0x36: {  	p1 =	seq.s32 s10, $0x1;
	s10 =	sld [smem:$0x3FB3];
	_ =	sdelay $0x3  }
0x37: {  	[smem:$0x3FB3] =	sst s10  }
0x38: {  	s10 =	sld [smem:$0x3FB4]  }
0x39: {  	_ = 	snop;
	(pc) =	sbr.ind lr, $3  }
0x3a: {  	_ = 	snop  }
0x3b: {  	_ = 	snop  }
0x3c: {  	p2 =	seq.s32 s10, $0x1;
	s10 =	sld [smem:$0x3FB3]  }
0x3d: {  	_ =	shalt  }
0x3e: {  	_ =	shalt  }
0x3f: {  	_ =	shalt  }
0x40: {  	_ =	shalt  }
0x41: {  	_ =	shalt  }
0x42: {  	_ =	shalt  }
0x43: {  	_ =	shalt  }
0x44: {  	_ =	shalt  }
0x45: {  	_ =	shalt  }
0x46: {  	_ =	shalt  }
0x47: {  	_ =	shalt  }
0x48: {  	_ =	shalt  }
0x49: {  	_ =	shalt  }
0x4a: {  	_ =	shalt  }
0x4b: {  	_ =	shalt  }
0x4c: {  	_ =	shalt  }
0x4d: {  	_ =	shalt  }
0x4e: {  	_ =	shalt  }
0x4f: {  	_ =	shalt  }
0x50: {  	_ =	shalt  }
0x51: {  	_ =	shalt  }
0x52: {  	_ =	shalt  }
0x53: {  	_ =	shalt  }
0x54: {  	_ =	shalt  }
0x55: {  	_ =	shalt  }
0x56: {  	_ =	shalt  }
0x57: {  	_ =	shalt  }
0x58: {  	_ =	shalt  }
0x59: {  	_ =	shalt  }
0x5a: {  	_ =	shalt  }
0x5b: {  	_ =	shalt  }
0x5c: {  	_ =	shalt  }
0x5d: {  	_ =	shalt  }
0x5e: {  	_ =	shalt  }
0x5f: {  	_ =	shalt  }
0x60: {  	_ =	shalt  }
0x61: {  	_ =	shalt  }
0x62: {  	_ =	shalt  }
0x63: {  	_ =	shalt  }
0x64: {  	_ =	shalt  }
0x65: {  	_ =	shalt  }
0x66: {  	_ =	shalt  }
0x67: {  	_ =	shalt  }
0x68: {  	_ =	shalt  }
0x69: {  	_ =	shalt  }
0x6a: {  	_ =	shalt  }
0x6b: {  	_ =	shalt  }
0x6c: {  	_ =	shalt  }
0x6d: {  	_ =	shalt  }
0x6e: {  	_ =	shalt  }
0x6f: {  	_ =	shalt  }
0x70: {  	_ =	shalt  }
0x71: {  	_ =	shalt  }
0x72: {  	_ =	shalt  }
0x73: {  	_ =	shalt  }
0x74: {  	_ =	shalt  }
0x75: {  	_ =	shalt  }
0x76: {  	_ =	shalt  }
0x77: {  	_ =	shalt  }
0x78: {  	_ =	shalt  }
0x79: {  	_ =	shalt  }
0x7a: {  	_ =	shalt  }
0x7b: {  	_ =	shalt  }
0x7c: {  	_ =	shalt  }
0x7d: {  	_ =	shalt  }
0x7e: {  	_ =	shalt  }
0x7f: {  	_ =	shalt  }
0x80: {  	_ =	shalt  }
0x81: {  	_ =	shalt  }
0x82: {  	_ =	shalt  }
0x83: {  	_ =	shalt  }
0x84: {  	_ =	shalt  }
0x85: {  	_ =	shalt  }
0x86: {  	_ =	shalt  }
0x87: {  	_ =	shalt  }
.Lfunc_end0:
.L_simem_size_0:
called_computation_lowered:
.L_overlay_start_0:
0x88: {  	s2 =	sld [smem:$0x3FD9]  }
0x89: {  	s3 =	sld [smem:$0x3FFE];
	_ =	sdelay $0x1  }
0x8a: {  	s1 =	srdreg.scid  }
0x8b: {  	s0 =	sand.u32 $0x1, s1  }
0x8c: {  	s17 =	sshll.u32 s0, $0xA;
	s2 =	sadd.s32 s3, s2  }
0x8d: {  	s2 =	sadd.s32 s2, s17  }
0x8e: {  	[smem:$0x3FBF] =	sst s2  }
0x8f: {  	_ = 	snop  }
0x90: {  	s2 =	sld [smem:$0x3FD0];
	(tm) =	ssettm $0x1  }
0x91: {  	s18 =	sld [smem:$0x3FFB];
	_ =	sdelay $0x3  }
0x92: {  	_ =	strace s18  }
0x93: {  	s3 =	sld [smem:$0x3FFC];
	_ =	sdelay $0x3  }
0x94: {  	_ =	strace s3  }
0x95: {  	s3 =	sld [smem:$0x3FFD];
	_ =	sdelay $0x3  }
0x96: {  	_ =	strace s3  }
0x97: {  	_ =	strace $0x8FFFFFFF  }
0x98: {  	s19 =	sld [smem:$0x3FDB];
	_ =	sdelay $0x1  }
0x99: {  	s4 =	simm.s32 $_scs_section_size  }
0x9a: {  	s5 =	simm.s32 $_size__tile_overlayer_lowered;
	s6 =	simm.s32 $_tile_overlayer_lowered  }
0x9b: {  	s22 =	simm.s32 $0x1BFF;
	s21 =	sshll.u32 s6, $0x1;
	s3 =	sadd.s32 s4, s19  }
0x9c: {  	s7 =	simm.s32 $0x0;
	s20 =	sshll.u32 s5, $0x1;
	s5 =	sadd.s32 s21, s3  }
0x9d: {  	[timem:s7], [sflag:s22] =	dma.local [hbm:s5], s20  }
0x9e: {  	_ =	swait.ge [sflag:s22], s20  }
0x9f: {  	s4 =	ssub.s32 $0x0, s20;
	[sflag:s22] =	ssyncset.done $0x0  }
0xa0: {  	[sflag:s22] =	ssyncadd.s32 s4;
	_ =	sdelay $0x1  }
0xa1: {  	s23 =	simm.s32 $0x1B8B  }
0xa2: {  	_ =	swait.ge [sflag:s23], $0x1  }
0xa3: {  	[sflag:s23] =	ssyncset.done $0x0  }
0xa4: {  	s25 =	simm.s32 $0x1B8E;
	s24 =	sld [smem:$0x3FFE];
	[sflag:s23] =	ssyncadd.s32 $0xFFFFFFFF  }
0xa5: {  	s26 =	simm.s32 $execute0_lowered;
	[smem:$0x3FD2] =	sst s25  }
0xa6: {  	s5 =	sshll.u32 s26, $0x1;
	_ =	strace $0x80000046;
	[dreg:$0x1] =	wrdreg $0xFFFFFFFF  }
0xa7: {  	s28 =	simm.s32 $_size_execute0_lowered;
	s3 =	sadd.s32 s3, s5;
	[dreg:$0x0] =	wrdreg $0x0  }
0xa8: {  	s5 =	sshll.u32 s28, $0x1;
	[dreg:$0x2] =	wrdreg s3  }
0xa9: {  	[dreg:$0x3] =	wrdreg s5  }
0xaa: {  	[dreg:$0x4] =	wrdreg $0xC0  }
0xab: {  	_ =	task [dreg:s7], $0x5FFFF  }
0xac: {  	[dreg:$0x1] =	wrdreg $0xFFFFFFFF  }
0xad: {  	[dreg:$0x0] =	wrdreg $0x60  }
0xae: {  	[dreg:$0x2] =	wrdreg s24  }
0xaf: {  	[dreg:$0x3] =	wrdreg s2  }
0xb0: {  	[dreg:$0x4] =	wrdreg $0x81F80  }
0xb1: {  	[dreg:$0x5] =	wrdreg $0x9  }
0xb2: {  	_ =	task.clear_ibuf [dreg:s7], $0x6FFFF;
	_ =	strace $0x90000046  }
0xb3: {  	s29 =	simm.s32 $0x9;
	_ =	strace $0x80000048  }
0xb4: {  	_ =	swait.ge [sflag:s29], $0x1  }
0xb5: {  	[sflag:s29] =	ssyncadd.s32 $0xFFFFFFFF  }
0xb6: {  	_ =	strace $0x90000048  }
0xb7: {  	_ =	sfence  }
0xb8: {  	s30 =	sld [smem:$0x0];
	_ =	sdelay $0x2  }
0xb9: {  	s31 =	sshll.u32 s1, $0xD;
	s1 =	sshrl.u32 s1, $0x2  }
0xba: {  	s3 =	sand.u32 $0x4000, s31;
	s1 =	sadd.s32 s1, s30  }
0xbb: {  	s0 =	sor.u32 s3, s0;
	s1 =	sshll.u32 s1, $0x11  }
0xbc: {  	s0 =	sor.u32 s1, s0  }
0xbd: {  	s0 =	sadd.s32 $0x8F2B, s0  }
0xbe: {  	[sflag:s0] =	ssyncadd.remote.s32 $0x1  }
0xbf: {  	_ =	sfence.sel $0xFFFF  }
0xc0: {  	[dreg:$0x0] =	wrdreg $0xFFFFFFFF;
	(pc) =	sbr.abs _section_cstart, $3  }
0xc1: {  	[dreg:$0x1] =	wrdreg $0xFFFFFFFF  }
0xc2: {  	_ =	task.clear_ibuf [dreg:s7], $0x2FFFF;
	_ =	strace $0x9FFFFFFF  }
0xc3: {  	(tm) =	ssettm $0x7FFFFFFF  }
tec
execute0_lowered:
.L_overlay_start_1:
0x0: {  	(tag) =	ssettag $0x1  }
0x1: {  	s6 =	rddreg [dreg:$0x0]  }
0x2: {  	s1 =	srdreg.scid;
	s2 =	rddreg [dreg:$0x1]  }
0x3: {  	s0 =	stileid.u32;
	s3 =	rddreg [dreg:$0x2];
	s4 =	simm.s32 $0x0  }
0x4: {  	s13 =	simm.s32 $0x5000;
	s14 =	simm.s32 $0x80;
	s7 =	smul.u32 $0xA000, s0  }
0x5: {  	s15 =	simm.s32 $0x5800;
	s16 =	simm.s32 $0x7F80;
	s9 =	smul.u32 $0x278, s0  }
0x6: {  	s5 =	sand.u32 $0x1, s1;
	s1 =	rddreg [dreg:$0x3];
	s28 =	smul.u32 $0x9E00, s0  }
0x7: {  	s17 =	simm.s32 $0x0;
	[smem:$0x7FF] =	sst s4;
	s8 =	smul.u32 $0x5000, s5  }
0x8: {  	s31 =	sshll.u32 s0, $0x6;
	s24 =	smul.u32 $0x2780, s5;
	_ =	strace $0x80000047  }
0x9: {  	s26 =	ssub.s32 $0x2, s5;
	s5 =	sadd.s32 $0x17E00, s6;
	s7 =	sadd.s32 s8, s7  }
0xa: {  	s29 =	sshrl.u32 s26, $0x1;
	s25 =	sadd.s32 s9, s24;
	s7 =	sshrl.u32 s7, $0x3  }
0xb: {  	s30 =	sshrl.u32 s28, $0x2;
	s10 =	sadd.s32 s7, s6;
	s7 =	sshrl.u32 s25, $0x3  }
0xc: {  	s12 =	ssub.s32 s26, s29;
	s11 =	sadd.s32 s7, s6;
	s6 =	sadd.s32 s30, s3  }
0xd: {  	v0 =	vlaneseq.u32;
	s7 =	sor.u32 $0x1C01, s31;
	s8 =	sadd.s32 $0x3E00, s10;
	s10 =	smax.u32 s12, $0x1  }
0xe: {  	v0 =	vmul.u32 $0x10, v0;
	s12 =	simm.s32 $0x1;
	s9 =	sadd.s32 $0x18400, s11;
	s11 =	sshrl.u32 s6, $0x3  }
.LBB2_1:
0xf: {  	[spmem:s11], [sflag:s7] =	dma.local [hbm:s5], $0x4F0  }
0x10: {  	_ =	swait.ge [sflag:s12], $0x4F0  }
0x11: {  	[sflag:s12] =	ssyncset.done $0x0  }
0x12: {  	[sflag:s12] =	ssyncadd.s32 $0xFFFFFB10  }
0x13: {  	[tilespmem:s4], [sflag:$0x1] =	stream.linear.gather [hbm4b:s8+s4], $0x5000, $0x38;
	[tilespmem:$0xA978] =	vst v63  }
0x14: {  	_ =	swait.ge [sflag:s12], $0x5000  }
0x15: {  	[sflag:s12] =	ssyncset.done $0x0  }
0x16: {  	[sflag:s12] =	ssyncadd.s32 $0xFFFFB000  }
0x17: {  	[tilespmem:s13], [sflag:$0x1] =	stream.linear.gather [hbm4b:s2+s4], $0x800, $0x38;
	[tilespmem:$0xA978] =	vst v63  }
0x18: {  	_ =	swait.ge [sflag:s12], $0x800  }
0x19: {  	[sflag:s12] =	ssyncset.done $0x0  }
0x1a: {  	[sflag:s12] =	ssyncadd.s32 $0xFFFFF800  }
0x1b: {  	s18 =	simm.s32 $0x80;
	[bflag:$0x0] =	sbarrier.arrive $0xFFFF  }
0x1c: {  	[spmem:s3] =	stream.indirect.scatter.add.f32 [tilespmem:s13], [sflag:$0x1], $0x10, s18, s14, $0xb8;
	[tilespmem:$0xA978] =	vst v63  }
0x1d: {  	_ =	swait.ge [sflag:s12], $0x800  }
0x1e: {  	s18 =	simm.s32 $0x600;
	[sflag:s12] =	ssyncset.done $0x0  }
.LBB2_2:
0x1f: {  	s19 =	sshra.s32 s18, $0x2;
	[sflag:s12] =	ssyncadd.s32 $0xFFFFF800;
	p0 =	sne.s32 s18, $0x13E00  }
0x20: {  	[spmem:s3] =	stream.indirect.scatter.add.f32 [tilespmem:s13], [sflag:$0x1], $0x10, s19, s14, $0xb8;
	[tilespmem:$0xA978] =	vst v63  }
.Ltmp0:
0x21: {  	_ = 	snop;
	(pc) =	sbr.rel @p0 .LBB2_2-.Ltmp0, $4  }
0x22: {  	_ = 	snop  }
0x23: {  	s18 =	sadd.s32 $0x400, s18  }
0x24: {  	_ =	swait.ge [sflag:s12], $0x800  }
0x25: {  	[sflag:s12] =	ssyncset.done $0x0  }
0x26: {  	s18 =	simm.s32 $0x0  }
0x27: {  	v1 =	vmov s18  }
0x28: {  	[sflag:s12] =	ssyncadd.s32 $0xFFFFF800;
	v1 =	vshll.u32 v1, $0x4  }
0x29: {  	[bflag:$0x0] =	sbarrier.arrive $0xFFFF;
	v1 =	vor.u32 v0, v1  }
0x2a: {  	[tilespmem:s15], [sflag:$0x1] =	stream.linear.gather [spmem:s6], $0x2780, $0x38;
	[tilespmem:$0xA978] =	vst v63  }
0x2b: {  	_ =	swait.ge [sflag:s12], $0x2780  }
0x2c: {  	s31 =	simm.s32 $0x10;
	[sflag:s12] =	ssyncset.done $0x0  }
0x2d: {  	v2 =	vmov s31;
	[sflag:s12] =	ssyncadd.s32 $0xFFFFD880  }
0x2e: {  	v2 =	vshll.u32 v2, $0x4;
	v1 =	vld.idx.msk [tilespmem:v1+s15+$0x0], $0xffff  }
0x2f: {  	v3 =	vor.u32 v0, v2;
	_ =	sdelay $0x2  }
0x30: {  	s18 =	simm.s32 $0x7F80  }
0x31: {  	s19 =	simm.s32 $0x20;
	[tilespmem:s18+$0x0] =	vst v1  }
0x32: {  	v2 =	vmov s19;
	s19 =	simm.s32 $0x30;
	v1 =	vld.idx.msk [tilespmem:v3+s15+$0x0], $0xffff  }
.LBB2_4:
0x33: {  	p0 =	sne.s32 s19, $0x260;
	v2 =	vshll.u32 v2, $0x4  }
0x34: {  	v3 =	vor.u32 v0, v2  }
.Ltmp1:
0x35: {  	(pc) =	sbr.rel @p0 .LBB2_4-.Ltmp1, $4  }
0x36: {  	_ = 	snop  }
0x37: {  	s18 =	sadd.s32 $0x10, s18  }
0x38: {  	[tilespmem:s18+$0x0] =	vst v1  }
0x39: {  	v2 =	vmov s19;
	s19 =	sadd.s32 $0x10, s19;
	v1 =	vld.idx.msk [tilespmem:v3+s15+$0x0], $0xffff  }
0x3a: {  	v2 =	vshll.u32 v2, $0x4  }
0x3b: {  	v2 =	vor.u32 v0, v2;
	_ =	sdelay $0x2  }
0x3c: {  	s18 =	sadd.s32 $0x10, s18  }
0x3d: {  	[tilespmem:s18+$0x0] =	vst v1  }
0x3e: {  	v1 =	vld.idx.msk [tilespmem:v2+s15+$0x0], $0xffff;
	_ =	sdelay $0x2  }
0x3f: {  	s17 =	sadd.s32 $0x1, s17  }
0x40: {  	p0 =	sne.s32 s17, s10;
	s18 =	sadd.s32 $0x10, s18  }
.Ltmp2:
0x41: {  	[tilespmem:s18+$0x0] =	vst v1;
	(pc) =	sbr.rel @p0 .LBB2_1-.Ltmp2, $4  }
0x42: {  	[hbm4b:s9+s4] =	stream.linear.scatter [tilespmem:s16], [sflag:$0x1], $0x278, $0x38;
	[tilespmem:$0xA978] =	vst v63  }
0x43: {  	_ =	swait.ge [sflag:s12], $0x278  }
0x44: {  	[sflag:s12] =	ssyncset.done $0x0  }
0x45: {  	[sflag:s12] =	ssyncadd.s32 $0xFFFFFD88  }
0x46: {  	_ =	sfence.sel $0x180000  }
0x47: {  	[bflag:$0x0] =	sbarrier.arrive $0xFFFF  }
0x48: {  	p0 =	sne.s32 s0, $0x0;
	_ =	strace $0x90000047  }
0x49: {  	s0 =	sadd.s32 @!p0 $0x100000, s1;
	[bflag:$0x2] =	sbarrier.arrive $0xFFFF  }
0x4a: {  	[sflag:s0] =	ssyncadd.tile.s32 @!p0 $0x1;
	_ =	shalt  }
.Lfunc_end2:
_tile_overlayer_lowered:
.L_overlay_start_2:
0x4b: {  	(tag) =	ssettag $0x2  }
0x4c: {  	s0 =	rddreg [dreg:$0x0];
	s2 =	stileid.u32  }
0x4d: {  	s1 =	rddreg [dreg:$0x1];
	p0 =	sne.s32 s2, $0x0  }
0x4e: {  	s3 =	rddreg [dreg:$0x2];
	[bflag:$0x3] =	sbarrier.arrive $0xFFFF;
	s2 =	simm.s32 @!p0 $0x1C01  }
0x4f: {  	[timem:s3], [sflag:s2] =	dma.local @!p0 [hbm:s0], s1  }
0x50: {  	s0 =	simm.s32 @!p0 $0x1  }
0x51: {  	_ =	swait.ge @!p0 [sflag:s0], s1  }
0x52: {  	s1 =	ssub.s32 @!p0 $0x0, s1;
	[sflag:s0] =	ssyncset.done @!p0 $0x0  }
0x53: {  	[sflag:s0] =	ssyncadd.s32 @!p0 s1  }
0x54: {  	[bflag:$0x3] =	sbarrier.arrive $0xFFFF  }
0x55: {  	_ =	shalt  }

</sc_bundles>
